<compile_context>
chip_gen: v7x
topology: tpu7x:2x2x1
jax: 0.10.2.dev20260603
libtpu: 0.0.44.dev20260713+nightly
codegen_flags: <defaults>
</compile_context>

<pallas_src>
import functools

import jax
import jax.numpy as jnp
from jax import lax
from jax.experimental import pallas as pl
from jax.experimental.pallas import tpu as pltpu
from jax.experimental.pallas import tpu_sc as plsc

_SEQ = 2048
_DIM = 768
_SCALE = 8.0

_info = plsc.get_sparse_core_info()
_NC, _NS = _info.num_cores, _info.num_subcores
_NW = _NC * _NS
_B_PER_W = _SEQ // _NW
_NB = 4
_BLK = _B_PER_W // _NB

_mesh = plsc.VectorSubcoreMesh(core_axis_name="c", subcore_axis_name="s")


@functools.partial(
    pl.kernel,
    mesh=_mesh,
    out_type=jax.ShapeDtypeStruct((_SEQ, _DIM), jnp.float32),
    scratch_types=[
        pltpu.VMEM((_B_PER_W,), jnp.int32),
        pltpu.VMEM((_B_PER_W, _DIM), jnp.float32),
        pltpu.SemaphoreType.DMA((_NB,)),
        pltpu.SemaphoreType.DMA,
    ],
)
def _emb_gather(table_hbm, ids_hbm, out_hbm, idx_v, rows_v, gsems, osem):
    wid = lax.axis_index("s") * _NC + lax.axis_index("c")
    base = wid * _B_PER_W
    pltpu.sync_copy(ids_hbm.at[pl.ds(base, _B_PER_W)], idx_v)

    def fire(b, _):
        blk = pl.ds(b * _BLK, _BLK)
        pltpu.async_copy(table_hbm.at[idx_v.at[blk]], rows_v.at[blk], gsems.at[b])
        return _

    lax.fori_loop(0, _NB, fire, None)

    def process(b, _):
        pltpu.make_async_copy(
            table_hbm.at[idx_v.at[pl.ds(b * _BLK, _BLK)]],
            rows_v.at[pl.ds(b * _BLK, _BLK)],
            gsems.at[b],
        ).wait()

        def scale_row(i, _):
            for j in range(_DIM // 16):
                sl = pl.ds(j * 16, 16)
                rows_v[i, sl] = rows_v[i, sl] * _SCALE
            return _

        lax.fori_loop(b * _BLK, (b + 1) * _BLK, scale_row, None)
        blk = pl.ds(b * _BLK, _BLK)
        pltpu.async_copy(
            rows_v.at[blk], out_hbm.at[pl.ds(base + b * _BLK, _BLK)], osem
        )
        return _

    lax.fori_loop(0, _NB, process, None)

    pltpu.make_async_copy(rows_v, out_hbm.at[pl.ds(base, _B_PER_W)], osem).wait()


def kernel(token_ids, per_layer_table):
    b, s = token_ids.shape
    ids = token_ids.reshape(-1).astype(jnp.int32)
    out = _emb_gather(per_layer_table, ids)
    return out.reshape(b, s, 12, 64)

# --- scband reference (transcript-rebuilt; emitter-appended) ---
"""Pipeline reference for scband-lite-rtexportable-module-for-per-layer-embedder-24567212933972 (READ-ONLY COPY).

The authoritative reference and input builder live on the scoring server;
editing this copy changes nothing except your own understanding.
"""

import jax, jax.numpy as jnp
import numpy as np

VOCAB = 100000
NUM_LAYERS = 12
PER_LAYER_DIM = 64
BATCH = 1
SEQ = 2048


def setup_inputs(seed: int = 0) -> dict:
    key = jax.random.key(seed)
    k_ids, k_tab = jax.random.split(key)
    token_ids = jax.random.randint(k_ids, (BATCH, SEQ), 0, VOCAB, dtype=jnp.int32)
    # Per-layer embedding table: one row per vocab entry, num_layers * per_layer_dim wide.
    per_layer_table = jax.random.normal(
        k_tab, (VOCAB, NUM_LAYERS * PER_LAYER_DIM), dtype=jnp.float32
    ) * 0.02
    return {"token_ids": token_ids, "per_layer_table": per_layer_table}


def reference(token_ids, per_layer_table):
    # get_per_layer_inputs: embedding lookup, scale, reshape to per-layer slots.
    scale = jnp.asarray(PER_LAYER_DIM, dtype=jnp.float32) ** 0.5
    emb = jnp.take(per_layer_table, token_ids, axis=0)  # [B, S, L*D]
    emb = emb * scale
    b, s = token_ids.shape
    embeddings = emb.reshape(b, s, NUM_LAYERS, PER_LAYER_DIM)
    return embeddings

if __name__ == "__main__":
    import jax
    _d = setup_inputs()
    print(jax.jit(kernel)(*tuple(_d.values())))

</pallas_src>

<mosaic_0001>
#map = affine_map<(d0, d1) -> (0, 0)>
#map1 = affine_map<(d0, d1) -> (0)>
module attributes {stable_mosaic.version = 14 : i64} {
  func.func @_emb_gather(%arg0: i32, %arg1: i32, %arg2: memref<100000x768xf32, #tpu.memory_space<hbm>>, %arg3: memref<2048xi32, #tpu.memory_space<hbm>>, %arg4: memref<2048x768xf32, #tpu.memory_space<hbm>>, %arg5: memref<64xi32, #tpu.memory_space<vmem>>, %arg6: memref<64x768xf32, #tpu.memory_space<vmem>>, %arg7: memref<4x!tpu.dma_semaphore, #tpu.memory_space<semaphore_mem>>, %arg8: memref<!tpu.dma_semaphore, #tpu.memory_space<semaphore_mem>>) attributes {dimension_semantics = [#tpu.dimension_semantics<core_parallel>, #tpu.dimension_semantics<subcore_parallel>], iteration_bounds = array<i64: 2, 16>, scalar_prefetch = 0 : i64, scratch_operands = 4 : i64, tpu.core_type = #tpu.core_type<sc_vector_subcore>, window_params = [{transform_indices = #map}, {transform_indices = #map1}, {transform_indices = #map}]} {
    %mul3A = arith.constant 2 : i32
    %mul3A_0 = arith.muli %arg1, %mul3A : i32
    %add3A = arith.addi %mul3A_0, %arg0 : i32
    %mul3A_1 = arith.constant 64 : i32
    %mul3A_2 = arith.muli %add3A, %mul3A_1 : i32
    "tpu.region"() ({
      %run_scoped3A = tpu.sem_alloc : memref<!tpu.dma_semaphore, #tpu.memory_space<semaphore_mem>>
      %dma_start3A = tpu.memref_slice %arg3[%mul3A_2] : memref<2048xi32, #tpu.memory_space<hbm>> -> memref<64xi32, #tpu.memory_space<hbm>>
      %dma_start3A_15 = tpu.memref_slice %arg3[%mul3A_2] : memref<2048xi32, #tpu.memory_space<hbm>> -> memref<64xi32, #tpu.memory_space<hbm>>
      tpu.enqueue_dma source(%dma_start3A_15 : memref<64xi32, #tpu.memory_space<hbm>>) target(%arg5 : memref<64xi32, #tpu.memory_space<vmem>>) target_semaphore(%run_scoped3A : memref<!tpu.dma_semaphore, #tpu.memory_space<semaphore_mem>>)
      %dma_wait3A_16 = tpu.memref_slice %arg3[%mul3A_2] : memref<2048xi32, #tpu.memory_space<hbm>> -> memref<64xi32, #tpu.memory_space<hbm>>
      %dma_wait3A_17 = tpu.memref_slice %arg3[%mul3A_2] : memref<2048xi32, #tpu.memory_space<hbm>> -> memref<64xi32, #tpu.memory_space<hbm>>
      tpu.wait_dma2 semaphore(%run_scoped3A : memref<!tpu.dma_semaphore, #tpu.memory_space<semaphore_mem>>) src(%dma_wait3A_17 : memref<64xi32, #tpu.memory_space<hbm>>) dst(%arg5 : memref<64xi32, #tpu.memory_space<vmem>>)
      tpu.yield
    }) : () -> ()
    %scan3A = arith.constant 0 : i32
    %scan3A_3 = arith.constant 4 : i32
    %scan3A_4 = arith.addi %scan3A, %scan3A_3 : i32
    %scan3A_5 = arith.constant 1 : i32
    scf.for %scan3A_15 = %scan3A to %scan3A_4 step %scan3A_5  : i32 {
      %mul3A_16 = arith.constant 16 : i32
      %mul3A_17 = arith.muli %scan3A_15, %mul3A_16 : i32
      %dma_start3A = arith.constant 0 : i32
      %dma_start3A_18 = tpu.memref_slice %arg6[%mul3A_17, %dma_start3A] : memref<64x768xf32, #tpu.memory_space<vmem>> -> memref<16x768xf32, #tpu.memory_space<vmem>>
      %dma_start3A_19 = tpu.memref_slice %arg5[%mul3A_17] : memref<64xi32, #tpu.memory_space<vmem>> -> memref<16xi32, #tpu.memory_space<vmem>>
      %dma_start3A_20 = arith.constant 0 : i32
      %dma_start3A_21 = arith.constant 0 : i32
      %dma_start3A_22 = tpu.memref_slice %arg2[%dma_start3A_20, %dma_start3A_21] : memref<100000x768xf32, #tpu.memory_space<hbm>> -> memref<100000x768xf32, #tpu.memory_space<hbm>>
      %dma_start3A_23 = tpu.memref_slice %arg7[%scan3A_15] : memref<4x!tpu.dma_semaphore, #tpu.memory_space<semaphore_mem>> -> memref<1x!tpu.dma_semaphore, #tpu.memory_space<semaphore_mem>>
      %dma_start3A_24 = tpu.memref_squeeze %dma_start3A_23 : memref<1x!tpu.dma_semaphore, #tpu.memory_space<semaphore_mem>> -> memref<!tpu.dma_semaphore, #tpu.memory_space<semaphore_mem>>
      tpu.enqueue_indirect_dma source(%dma_start3A_22 : memref<100000x768xf32, #tpu.memory_space<hbm>>) target(%dma_start3A_18 : memref<16x768xf32, #tpu.memory_space<vmem>>) offsets(%dma_start3A_19 : memref<16xi32, #tpu.memory_space<vmem>>) semaphore(%dma_start3A_24 : memref<!tpu.dma_semaphore, #tpu.memory_space<semaphore_mem>>)
    }
    %scan3A_6 = arith.constant 4 : i32
    %scan3A_7 = arith.constant 0 : i32
    %scan3A_8 = arith.constant 4 : i32
    %scan3A_9 = arith.addi %scan3A_7, %scan3A_8 : i32
    %scan3A_10 = arith.constant 1 : i32
    scf.for %scan3A_15 = %scan3A_7 to %scan3A_9 step %scan3A_10  : i32 {
      %mul3A_16 = arith.constant 16 : i32
      %mul3A_17 = arith.muli %scan3A_15, %mul3A_16 : i32
      %mul3A_18 = arith.constant 16 : i32
      %mul3A_19 = arith.muli %scan3A_15, %mul3A_18 : i32
      %dma_wait3A_20 = arith.constant 0 : i32
      %dma_wait3A_21 = tpu.memref_slice %arg6[%mul3A_19, %dma_wait3A_20] : memref<64x768xf32, #tpu.memory_space<vmem>> -> memref<16x768xf32, #tpu.memory_space<vmem>>
      %dma_wait3A_22 = tpu.memref_slice %arg5[%mul3A_17] : memref<64xi32, #tpu.memory_space<vmem>> -> memref<16xi32, #tpu.memory_space<vmem>>
      %dma_wait3A_23 = arith.constant 0 : i32
      %dma_wait3A_24 = arith.constant 0 : i32
      %dma_wait3A_25 = tpu.memref_slice %arg2[%dma_wait3A_23, %dma_wait3A_24] : memref<100000x768xf32, #tpu.memory_space<hbm>> -> memref<100000x768xf32, #tpu.memory_space<hbm>>
      %dma_wait3A_26 = tpu.memref_slice %arg7[%scan3A_15] : memref<4x!tpu.dma_semaphore, #tpu.memory_space<semaphore_mem>> -> memref<1x!tpu.dma_semaphore, #tpu.memory_space<semaphore_mem>>
      %dma_wait3A_27 = tpu.memref_squeeze %dma_wait3A_26 : memref<1x!tpu.dma_semaphore, #tpu.memory_space<semaphore_mem>> -> memref<!tpu.dma_semaphore, #tpu.memory_space<semaphore_mem>>
      tpu.wait_indirect_dma semaphore(%dma_wait3A_27 : memref<!tpu.dma_semaphore, #tpu.memory_space<semaphore_mem>>) src(%dma_wait3A_25 : memref<100000x768xf32, #tpu.memory_space<hbm>>) dst(%dma_wait3A_21 : memref<16x768xf32, #tpu.memory_space<vmem>>)
      %mul3A_28 = arith.constant 16 : i32
      %mul3A_29 = arith.muli %scan3A_15, %mul3A_28 : i32
      %add3A_30 = arith.constant 1 : i32
      %add3A_31 = arith.addi %scan3A_15, %add3A_30 : i32
      %mul3A_32 = arith.constant 16 : i32
      %mul3A_33 = arith.muli %add3A_31, %mul3A_32 : i32
      %while3A = arith.subi %mul3A_33, %mul3A_29 : i32
      %while3A_34 = arith.addi %mul3A_29, %while3A : i32
      %while3A_35 = arith.constant 1 : i32
      %while3A_36 = arith.divsi %while3A, %while3A_35 : i32
      %while3A_37 = arith.muli %while3A_36, %while3A_35 : i32
      %while3A_38 = arith.addi %mul3A_29, %while3A_37 : i32
      %while3A_39 = arith.constant 1 : i32
      scf.for %while3A_53 = %mul3A_29 to %while3A_38 step %while3A_39  : i32 {
        %get3A = arith.index_cast %while3A_53 : i32 to index
        %get3A_54 = arith.constant 0 : index
        %get3A_55 = tpu.vector_load %arg6[%get3A, %get3A_54] {strides = array<i32>} : memref<64x768xf32, #tpu.memory_space<vmem>>, vector<1x16xf32>,
        %get3A_56 = vector.shape_cast %get3A_55 : vector<1x16xf32> to vector<16xf32>
        %mul3A_57 = arith.constant 8.000000e+00 : f32
        %mul3A_58 = vector.broadcast %mul3A_57 : f32 to vector<16xf32>
        %mul3A_59 = arith.mulf %get3A_56, %mul3A_58 : vector<16xf32>
        %swap3A = arith.index_cast %while3A_53 : i32 to index
        %swap3A_60 = arith.constant 0 : index
        %swap3A_61 = tpu.vector_load %arg6[%swap3A, %swap3A_60] {strides = array<i32>} : memref<64x768xf32, #tpu.memory_space<vmem>>, vector<1x16xf32>,
        %swap3A_62 = vector.shape_cast %swap3A_61 : vector<1x16xf32> to vector<16xf32>
        %swap3A_63 = vector.shape_cast %mul3A_59 : vector<16xf32> to vector<1x16xf32>
        tpu.vector_store %arg6[%swap3A, %swap3A_60], %swap3A_63 {strides = array<i32>} : memref<64x768xf32, #tpu.memory_space<vmem>>, vector<1x16xf32>,
        %get3A_64 = arith.index_cast %while3A_53 : i32 to index
        %get3A_65 = arith.constant 16 : index
        %get3A_66 = tpu.vector_load %arg6[%get3A_64, %get3A_65] {strides = array<i32>} : memref<64x768xf32, #tpu.memory_space<vmem>>, vector<1x16xf32>,
        %get3A_67 = vector.shape_cast %get3A_66 : vector<1x16xf32> to vector<16xf32>
        %mul3A_68 = arith.constant 8.000000e+00 : f32
        %mul3A_69 = vector.broadcast %mul3A_68 : f32 to vector<16xf32>
        %mul3A_70 = arith.mulf %get3A_67, %mul3A_69 : vector<16xf32>
        %swap3A_71 = arith.index_cast %while3A_53 : i32 to index
        %swap3A_72 = arith.constant 16 : index
        %swap3A_73 = tpu.vector_load %arg6[%swap3A_71, %swap3A_72] {strides = array<i32>} : memref<64x768xf32, #tpu.memory_space<vmem>>, vector<1x16xf32>,
        %swap3A_74 = vector.shape_cast %swap3A_73 : vector<1x16xf32> to vector<16xf32>
        %swap3A_75 = vector.shape_cast %mul3A_70 : vector<16xf32> to vector<1x16xf32>
        tpu.vector_store %arg6[%swap3A_71, %swap3A_72], %swap3A_75 {strides = array<i32>} : memref<64x768xf32, #tpu.memory_space<vmem>>, vector<1x16xf32>,
        %get3A_76 = arith.index_cast %while3A_53 : i32 to index
        %get3A_77 = arith.constant 32 : index
        %get3A_78 = tpu.vector_load %arg6[%get3A_76, %get3A_77] {strides = array<i32>} : memref<64x768xf32, #tpu.memory_space<vmem>>, vector<1x16xf32>,
        %get3A_79 = vector.shape_cast %get3A_78 : vector<1x16xf32> to vector<16xf32>
        %mul3A_80 = arith.constant 8.000000e+00 : f32
        %mul3A_81 = vector.broadcast %mul3A_80 : f32 to vector<16xf32>
        %mul3A_82 = arith.mulf %get3A_79, %mul3A_81 : vector<16xf32>
        %swap3A_83 = arith.index_cast %while3A_53 : i32 to index
        %swap3A_84 = arith.constant 32 : index
        %swap3A_85 = tpu.vector_load %arg6[%swap3A_83, %swap3A_84] {strides = array<i32>} : memref<64x768xf32, #tpu.memory_space<vmem>>, vector<1x16xf32>,
        %swap3A_86 = vector.shape_cast %swap3A_85 : vector<1x16xf32> to vector<16xf32>
        %swap3A_87 = vector.shape_cast %mul3A_82 : vector<16xf32> to vector<1x16xf32>
        tpu.vector_store %arg6[%swap3A_83, %swap3A_84], %swap3A_87 {strides = array<i32>} : memref<64x768xf32, #tpu.memory_space<vmem>>, vector<1x16xf32>,
        %get3A_88 = arith.index_cast %while3A_53 : i32 to index
        %get3A_89 = arith.constant 48 : index
        %get3A_90 = tpu.vector_load %arg6[%get3A_88, %get3A_89] {strides = array<i32>} : memref<64x768xf32, #tpu.memory_space<vmem>>, vector<1x16xf32>,
        %get3A_91 = vector.shape_cast %get3A_90 : vector<1x16xf32> to vector<16xf32>
        %mul3A_92 = arith.constant 8.000000e+00 : f32
        %mul3A_93 = vector.broadcast %mul3A_92 : f32 to vector<16xf32>
        %mul3A_94 = arith.mulf %get3A_91, %mul3A_93 : vector<16xf32>
        %swap3A_95 = arith.index_cast %while3A_53 : i32 to index
        %swap3A_96 = arith.constant 48 : index
        %swap3A_97 = tpu.vector_load %arg6[%swap3A_95, %swap3A_96] {strides = array<i32>} : memref<64x768xf32, #tpu.memory_space<vmem>>, vector<1x16xf32>,
        %swap3A_98 = vector.shape_cast %swap3A_97 : vector<1x16xf32> to vector<16xf32>
        %swap3A_99 = vector.shape_cast %mul3A_94 : vector<16xf32> to vector<1x16xf32>
        tpu.vector_store %arg6[%swap3A_95, %swap3A_96], %swap3A_99 {strides = array<i32>} : memref<64x768xf32, #tpu.memory_space<vmem>>, vector<1x16xf32>,
        %get3A_100 = arith.index_cast %while3A_53 : i32 to index
        %get3A_101 = arith.constant 64 : index
        %get3A_102 = tpu.vector_load %arg6[%get3A_100, %get3A_101] {strides = array<i32>} : memref<64x768xf32, #tpu.memory_space<vmem>>, vector<1x16xf32>,
        %get3A_103 = vector.shape_cast %get3A_102 : vector<1x16xf32> to vector<16xf32>
        %mul3A_104 = arith.constant 8.000000e+00 : f32
        %mul3A_105 = vector.broadcast %mul3A_104 : f32 to vector<16xf32>
        %mul3A_106 = arith.mulf %get3A_103, %mul3A_105 : vector<16xf32>
        %swap3A_107 = arith.index_cast %while3A_53 : i32 to index
        %swap3A_108 = arith.constant 64 : index
        %swap3A_109 = tpu.vector_load %arg6[%swap3A_107, %swap3A_108] {strides = array<i32>} : memref<64x768xf32, #tpu.memory_space<vmem>>, vector<1x16xf32>,
        %swap3A_110 = vector.shape_cast %swap3A_109 : vector<1x16xf32> to vector<16xf32>
        %swap3A_111 = vector.shape_cast %mul3A_106 : vector<16xf32> to vector<1x16xf32>
        tpu.vector_store %arg6[%swap3A_107, %swap3A_108], %swap3A_111 {strides = array<i32>} : memref<64x768xf32, #tpu.memory_space<vmem>>, vector<1x16xf32>,
        %get3A_112 = arith.index_cast %while3A_53 : i32 to index
        %get3A_113 = arith.constant 80 : index
        %get3A_114 = tpu.vector_load %arg6[%get3A_112, %get3A_113] {strides = array<i32>} : memref<64x768xf32, #tpu.memory_space<vmem>>, vector<1x16xf32>,
        %get3A_115 = vector.shape_cast %get3A_114 : vector<1x16xf32> to vector<16xf32>
        %mul3A_116 = arith.constant 8.000000e+00 : f32
        %mul3A_117 = vector.broadcast %mul3A_116 : f32 to vector<16xf32>
        %mul3A_118 = arith.mulf %get3A_115, %mul3A_117 : vector<16xf32>
        %swap3A_119 = arith.index_cast %while3A_53 : i32 to index
        %swap3A_120 = arith.constant 80 : index
        %swap3A_121 = tpu.vector_load %arg6[%swap3A_119, %swap3A_120] {strides = array<i32>} : memref<64x768xf32, #tpu.memory_space<vmem>>, vector<1x16xf32>,
        %swap3A_122 = vector.shape_cast %swap3A_121 : vector<1x16xf32> to vector<16xf32>
        %swap3A_123 = vector.shape_cast %mul3A_118 : vector<16xf32> to vector<1x16xf32>
        tpu.vector_store %arg6[%swap3A_119, %swap3A_120], %swap3A_123 {strides = array<i32>} : memref<64x768xf32, #tpu.memory_space<vmem>>, vector<1x16xf32>,
        %get3A_124 = arith.index_cast %while3A_53 : i32 to index
        %get3A_125 = arith.constant 96 : index
        %get3A_126 = tpu.vector_load %arg6[%get3A_124, %get3A_125] {strides = array<i32>} : memref<64x768xf32, #tpu.memory_space<vmem>>, vector<1x16xf32>,
        %get3A_127 = vector.shape_cast %get3A_126 : vector<1x16xf32> to vector<16xf32>
        %mul3A_128 = arith.constant 8.000000e+00 : f32
        %mul3A_129 = vector.broadcast %mul3A_128 : f32 to vector<16xf32>
        %mul3A_130 = arith.mulf %get3A_127, %mul3A_129 : vector<16xf32>
        %swap3A_131 = arith.index_cast %while3A_53 : i32 to index
        %swap3A_132 = arith.constant 96 : index
        %swap3A_133 = tpu.vector_load %arg6[%swap3A_131, %swap3A_132] {strides = array<i32>} : memref<64x768xf32, #tpu.memory_space<vmem>>, vector<1x16xf32>,
        %swap3A_134 = vector.shape_cast %swap3A_133 : vector<1x16xf32> to vector<16xf32>
        %swap3A_135 = vector.shape_cast %mul3A_130 : vector<16xf32> to vector<1x16xf32>
        tpu.vector_store %arg6[%swap3A_131, %swap3A_132], %swap3A_135 {strides = array<i32>} : memref<64x768xf32, #tpu.memory_space<vmem>>, vector<1x16xf32>,
        %get3A_136 = arith.index_cast %while3A_53 : i32 to index
        %get3A_137 = arith.constant 112 : index
        %get3A_138 = tpu.vector_load %arg6[%get3A_136, %get3A_137] {strides = array<i32>} : memref<64x768xf32, #tpu.memory_space<vmem>>, vector<1x16xf32>,
        %get3A_139 = vector.shape_cast %get3A_138 : vector<1x16xf32> to vector<16xf32>
        %mul3A_140 = arith.constant 8.000000e+00 : f32
        %mul3A_141 = vector.broadcast %mul3A_140 : f32 to vector<16xf32>
        %mul3A_142 = arith.mulf %get3A_139, %mul3A_141 : vector<16xf32>
        %swap3A_143 = arith.index_cast %while3A_53 : i32 to index
        %swap3A_144 = arith.constant 112 : index
        %swap3A_145 = tpu.vector_load %arg6[%swap3A_143, %swap3A_144] {strides = array<i32>} : memref<64x768xf32, #tpu.memory_space<vmem>>, vector<1x16xf32>,
        %swap3A_146 = vector.shape_cast %swap3A_145 : vector<1x16xf32> to vector<16xf32>
        %swap3A_147 = vector.shape_cast %mul3A_142 : vector<16xf32> to vector<1x16xf32>
        tpu.vector_store %arg6[%swap3A_143, %swap3A_144], %swap3A_147 {strides = array<i32>} : memref<64x768xf32, #tpu.memory_space<vmem>>, vector<1x16xf32>,
        %get3A_148 = arith.index_cast %while3A_53 : i32 to index
        %get3A_149 = arith.constant 128 : index
        %get3A_150 = tpu.vector_load %arg6[%get3A_148, %get3A_149] {strides = array<i32>} : memref<64x768xf32, #tpu.memory_space<vmem>>, vector<1x16xf32>,
        %get3A_151 = vector.shape_cast %get3A_150 : vector<1x16xf32> to vector<16xf32>
        %mul3A_152 = arith.constant 8.000000e+00 : f32
        %mul3A_153 = vector.broadcast %mul3A_152 : f32 to vector<16xf32>
        %mul3A_154 = arith.mulf %get3A_151, %mul3A_153 : vector<16xf32>
        %swap3A_155 = arith.index_cast %while3A_53 : i32 to index
        %swap3A_156 = arith.constant 128 : index
        %swap3A_157 = tpu.vector_load %arg6[%swap3A_155, %swap3A_156] {strides = array<i32>} : memref<64x768xf32, #tpu.memory_space<vmem>>, vector<1x16xf32>,
        %swap3A_158 = vector.shape_cast %swap3A_157 : vector<1x16xf32> to vector<16xf32>
        %swap3A_159 = vector.shape_cast %mul3A_154 : vector<16xf32> to vector<1x16xf32>
        tpu.vector_store %arg6[%swap3A_155, %swap3A_156], %swap3A_159 {strides = array<i32>} : memref<64x768xf32, #tpu.memory_space<vmem>>, vector<1x16xf32>,
        %get3A_160 = arith.index_cast %while3A_53 : i32 to index
        %get3A_161 = arith.constant 144 : index
        %get3A_162 = tpu.vector_load %arg6[%get3A_160, %get3A_161] {strides = array<i32>} : memref<64x768xf32, #tpu.memory_space<vmem>>, vector<1x16xf32>,
        %get3A_163 = vector.shape_cast %get3A_162 : vector<1x16xf32> to vector<16xf32>
        %mul3A_164 = arith.constant 8.000000e+00 : f32
        %mul3A_165 = vector.broadcast %mul3A_164 : f32 to vector<16xf32>
        %mul3A_166 = arith.mulf %get3A_163, %mul3A_165 : vector<16xf32>
        %swap3A_167 = arith.index_cast %while3A_53 : i32 to index
        %swap3A_168 = arith.constant 144 : index
        %swap3A_169 = tpu.vector_load %arg6[%swap3A_167, %swap3A_168] {strides = array<i32>} : memref<64x768xf32, #tpu.memory_space<vmem>>, vector<1x16xf32>,
        %swap3A_170 = vector.shape_cast %swap3A_169 : vector<1x16xf32> to vector<16xf32>
        %swap3A_171 = vector.shape_cast %mul3A_166 : vector<16xf32> to vector<1x16xf32>
        tpu.vector_store %arg6[%swap3A_167, %swap3A_168], %swap3A_171 {strides = array<i32>} : memref<64x768xf32, #tpu.memory_space<vmem>>, vector<1x16xf32>,
        %get3A_172 = arith.index_cast %while3A_53 : i32 to index
        %get3A_173 = arith.constant 160 : index
        %get3A_174 = tpu.vector_load %arg6[%get3A_172, %get3A_173] {strides = array<i32>} : memref<64x768xf32, #tpu.memory_space<vmem>>, vector<1x16xf32>,
        %get3A_175 = vector.shape_cast %get3A_174 : vector<1x16xf32> to vector<16xf32>
        %mul3A_176 = arith.constant 8.000000e+00 : f32
        %mul3A_177 = vector.broadcast %mul3A_176 : f32 to vector<16xf32>
        %mul3A_178 = arith.mulf %get3A_175, %mul3A_177 : vector<16xf32>
        %swap3A_179 = arith.index_cast %while3A_53 : i32 to index
        %swap3A_180 = arith.constant 160 : index
        %swap3A_181 = tpu.vector_load %arg6[%swap3A_179, %swap3A_180] {strides = array<i32>} : memref<64x768xf32, #tpu.memory_space<vmem>>, vector<1x16xf32>,
        %swap3A_182 = vector.shape_cast %swap3A_181 : vector<1x16xf32> to vector<16xf32>
        %swap3A_183 = vector.shape_cast %mul3A_178 : vector<16xf32> to vector<1x16xf32>
        tpu.vector_store %arg6[%swap3A_179, %swap3A_180], %swap3A_183 {strides = array<i32>} : memref<64x768xf32, #tpu.memory_space<vmem>>, vector<1x16xf32>,
        %get3A_184 = arith.index_cast %while3A_53 : i32 to index
        %get3A_185 = arith.constant 176 : index
        %get3A_186 = tpu.vector_load %arg6[%get3A_184, %get3A_185] {strides = array<i32>} : memref<64x768xf32, #tpu.memory_space<vmem>>, vector<1x16xf32>,
        %get3A_187 = vector.shape_cast %get3A_186 : vector<1x16xf32> to vector<16xf32>
        %mul3A_188 = arith.constant 8.000000e+00 : f32
        %mul3A_189 = vector.broadcast %mul3A_188 : f32 to vector<16xf32>
        %mul3A_190 = arith.mulf %get3A_187, %mul3A_189 : vector<16xf32>
        %swap3A_191 = arith.index_cast %while3A_53 : i32 to index
        %swap3A_192 = arith.constant 176 : index
        %swap3A_193 = tpu.vector_load %arg6[%swap3A_191, %swap3A_192] {strides = array<i32>} : memref<64x768xf32, #tpu.memory_space<vmem>>, vector<1x16xf32>,
        %swap3A_194 = vector.shape_cast %swap3A_193 : vector<1x16xf32> to vector<16xf32>
        %swap3A_195 = vector.shape_cast %mul3A_190 : vector<16xf32> to vector<1x16xf32>
        tpu.vector_store %arg6[%swap3A_191, %swap3A_192], %swap3A_195 {strides = array<i32>} : memref<64x768xf32, #tpu.memory_space<vmem>>, vector<1x16xf32>,
        %get3A_196 = arith.index_cast %while3A_53 : i32 to index
        %get3A_197 = arith.constant 192 : index
        %get3A_198 = tpu.vector_load %arg6[%get3A_196, %get3A_197] {strides = array<i32>} : memref<64x768xf32, #tpu.memory_space<vmem>>, vector<1x16xf32>,
        %get3A_199 = vector.shape_cast %get3A_198 : vector<1x16xf32> to vector<16xf32>
        %mul3A_200 = arith.constant 8.000000e+00 : f32
        %mul3A_201 = vector.broadcast %mul3A_200 : f32 to vector<16xf32>
        %mul3A_202 = arith.mulf %get3A_199, %mul3A_201 : vector<16xf32>
        %swap3A_203 = arith.index_cast %while3A_53 : i32 to index
        %swap3A_204 = arith.constant 192 : index
        %swap3A_205 = tpu.vector_load %arg6[%swap3A_203, %swap3A_204] {strides = array<i32>} : memref<64x768xf32, #tpu.memory_space<vmem>>, vector<1x16xf32>,
        %swap3A_206 = vector.shape_cast %swap3A_205 : vector<1x16xf32> to vector<16xf32>
        %swap3A_207 = vector.shape_cast %mul3A_202 : vector<16xf32> to vector<1x16xf32>
        tpu.vector_store %arg6[%swap3A_203, %swap3A_204], %swap3A_207 {strides = array<i32>} : memref<64x768xf32, #tpu.memory_space<vmem>>, vector<1x16xf32>,
        %get3A_208 = arith.index_cast %while3A_53 : i32 to index
        %get3A_209 = arith.constant 208 : index
        %get3A_210 = tpu.vector_load %arg6[%get3A_208, %get3A_209] {strides = array<i32>} : memref<64x768xf32, #tpu.memory_space<vmem>>, vector<1x16xf32>,
        %get3A_211 = vector.shape_cast %get3A_210 : vector<1x16xf32> to vector<16xf32>
        %mul3A_212 = arith.constant 8.000000e+00 : f32
        %mul3A_213 = vector.broadcast %mul3A_212 : f32 to vector<16xf32>
        %mul3A_214 = arith.mulf %get3A_211, %mul3A_213 : vector<16xf32>
        %swap3A_215 = arith.index_cast %while3A_53 : i32 to index
        %swap3A_216 = arith.constant 208 : index
        %swap3A_217 = tpu.vector_load %arg6[%swap3A_215, %swap3A_216] {strides = array<i32>} : memref<64x768xf32, #tpu.memory_space<vmem>>, vector<1x16xf32>,
        %swap3A_218 = vector.shape_cast %swap3A_217 : vector<1x16xf32> to vector<16xf32>
        %swap3A_219 = vector.shape_cast %mul3A_214 : vector<16xf32> to vector<1x16xf32>
        tpu.vector_store %arg6[%swap3A_215, %swap3A_216], %swap3A_219 {strides = array<i32>} : memref<64x768xf32, #tpu.memory_space<vmem>>, vector<1x16xf32>,
        %get3A_220 = arith.index_cast %while3A_53 : i32 to index
        %get3A_221 = arith.constant 224 : index
        %get3A_222 = tpu.vector_load %arg6[%get3A_220, %get3A_221] {strides = array<i32>} : memref<64x768xf32, #tpu.memory_space<vmem>>, vector<1x16xf32>,
        %get3A_223 = vector.shape_cast %get3A_222 : vector<1x16xf32> to vector<16xf32>
        %mul3A_224 = arith.constant 8.000000e+00 : f32
        %mul3A_225 = vector.broadcast %mul3A_224 : f32 to vector<16xf32>
        %mul3A_226 = arith.mulf %get3A_223, %mul3A_225 : vector<16xf32>
        %swap3A_227 = arith.index_cast %while3A_53 : i32 to index
        %swap3A_228 = arith.constant 224 : index
        %swap3A_229 = tpu.vector_load %arg6[%swap3A_227, %swap3A_228] {strides = array<i32>} : memref<64x768xf32, #tpu.memory_space<vmem>>, vector<1x16xf32>,
        %swap3A_230 = vector.shape_cast %swap3A_229 : vector<1x16xf32> to vector<16xf32>
        %swap3A_231 = vector.shape_cast %mul3A_226 : vector<16xf32> to vector<1x16xf32>
        tpu.vector_store %arg6[%swap3A_227, %swap3A_228], %swap3A_231 {strides = array<i32>} : memref<64x768xf32, #tpu.memory_space<vmem>>, vector<1x16xf32>,
        %get3A_232 = arith.index_cast %while3A_53 : i32 to index
        %get3A_233 = arith.constant 240 : index
        %get3A_234 = tpu.vector_load %arg6[%get3A_232, %get3A_233] {strides = array<i32>} : memref<64x768xf32, #tpu.memory_space<vmem>>, vector<1x16xf32>,
        %get3A_235 = vector.shape_cast %get3A_234 : vector<1x16xf32> to vector<16xf32>
        %mul3A_236 = arith.constant 8.000000e+00 : f32
        %mul3A_237 = vector.broadcast %mul3A_236 : f32 to vector<16xf32>
        %mul3A_238 = arith.mulf %get3A_235, %mul3A_237 : vector<16xf32>
        %swap3A_239 = arith.index_cast %while3A_53 : i32 to index
        %swap3A_240 = arith.constant 240 : index
        %swap3A_241 = tpu.vector_load %arg6[%swap3A_239, %swap3A_240] {strides = array<i32>} : memref<64x768xf32, #tpu.memory_space<vmem>>, vector<1x16xf32>,
        %swap3A_242 = vector.shape_cast %swap3A_241 : vector<1x16xf32> to vector<16xf32>
        %swap3A_243 = vector.shape_cast %mul3A_238 : vector<16xf32> to vector<1x16xf32>
        tpu.vector_store %arg6[%swap3A_239, %swap3A_240], %swap3A_243 {strides = array<i32>} : memref<64x768xf32, #tpu.memory_space<vmem>>, vector<1x16xf32>,
        %get3A_244 = arith.index_cast %while3A_53 : i32 to index
        %get3A_245 = arith.constant 256 : index
        %get3A_246 = tpu.vector_load %arg6[%get3A_244, %get3A_245] {strides = array<i32>} : memref<64x768xf32, #tpu.memory_space<vmem>>, vector<1x16xf32>,
        %get3A_247 = vector.shape_cast %get3A_246 : vector<1x16xf32> to vector<16xf32>
        %mul3A_248 = arith.constant 8.000000e+00 : f32
        %mul3A_249 = vector.broadcast %mul3A_248 : f32 to vector<16xf32>
        %mul3A_250 = arith.mulf %get3A_247, %mul3A_249 : vector<16xf32>
        %swap3A_251 = arith.index_cast %while3A_53 : i32 to index
        %swap3A_252 = arith.constant 256 : index
        %swap3A_253 = tpu.vector_load %arg6[%swap3A_251, %swap3A_252] {strides = array<i32>} : memref<64x768xf32, #tpu.memory_space<vmem>>, vector<1x16xf32>,
        %swap3A_254 = vector.shape_cast %swap3A_253 : vector<1x16xf32> to vector<16xf32>
        %swap3A_255 = vector.shape_cast %mul3A_250 : vector<16xf32> to vector<1x16xf32>
        tpu.vector_store %arg6[%swap3A_251, %swap3A_252], %swap3A_255 {strides = array<i32>} : memref<64x768xf32, #tpu.memory_space<vmem>>, vector<1x16xf32>,
        %get3A_256 = arith.index_cast %while3A_53 : i32 to index
        %get3A_257 = arith.constant 272 : index
        %get3A_258 = tpu.vector_load %arg6[%get3A_256, %get3A_257] {strides = array<i32>} : memref<64x768xf32, #tpu.memory_space<vmem>>, vector<1x16xf32>,
        %get3A_259 = vector.shape_cast %get3A_258 : vector<1x16xf32> to vector<16xf32>
        %mul3A_260 = arith.constant 8.000000e+00 : f32
        %mul3A_261 = vector.broadcast %mul3A_260 : f32 to vector<16xf32>
        %mul3A_262 = arith.mulf %get3A_259, %mul3A_261 : vector<16xf32>
        %swap3A_263 = arith.index_cast %while3A_53 : i32 to index
        %swap3A_264 = arith.constant 272 : index
        %swap3A_265 = tpu.vector_load %arg6[%swap3A_263, %swap3A_264] {strides = array<i32>} : memref<64x768xf32, #tpu.memory_space<vmem>>, vector<1x16xf32>,
        %swap3A_266 = vector.shape_cast %swap3A_265 : vector<1x16xf32> to vector<16xf32>
        %swap3A_267 = vector.shape_cast %mul3A_262 : vector<16xf32> to vector<1x16xf32>
        tpu.vector_store %arg6[%swap3A_263, %swap3A_264], %swap3A_267 {strides = array<i32>} : memref<64x768xf32, #tpu.memory_space<vmem>>, vector<1x16xf32>,
        %get3A_268 = arith.index_cast %while3A_53 : i32 to index
        %get3A_269 = arith.constant 288 : index
        %get3A_270 = tpu.vector_load %arg6[%get3A_268, %get3A_269] {strides = array<i32>} : memref<64x768xf32, #tpu.memory_space<vmem>>, vector<1x16xf32>,
        %get3A_271 = vector.shape_cast %get3A_270 : vector<1x16xf32> to vector<16xf32>
        %mul3A_272 = arith.constant 8.000000e+00 : f32
        %mul3A_273 = vector.broadcast %mul3A_272 : f32 to vector<16xf32>
        %mul3A_274 = arith.mulf %get3A_271, %mul3A_273 : vector<16xf32>
        %swap3A_275 = arith.index_cast %while3A_53 : i32 to index
        %swap3A_276 = arith.constant 288 : index
        %swap3A_277 = tpu.vector_load %arg6[%swap3A_275, %swap3A_276] {strides = array<i32>} : memref<64x768xf32, #tpu.memory_space<vmem>>, vector<1x16xf32>,
        %swap3A_278 = vector.shape_cast %swap3A_277 : vector<1x16xf32> to vector<16xf32>
        %swap3A_279 = vector.shape_cast %mul3A_274 : vector<16xf32> to vector<1x16xf32>
        tpu.vector_store %arg6[%swap3A_275, %swap3A_276], %swap3A_279 {strides = array<i32>} : memref<64x768xf32, #tpu.memory_space<vmem>>, vector<1x16xf32>,
        %get3A_280 = arith.index_cast %while3A_53 : i32 to index
        %get3A_281 = arith.constant 304 : index
        %get3A_282 = tpu.vector_load %arg6[%get3A_280, %get3A_281] {strides = array<i32>} : memref<64x768xf32, #tpu.memory_space<vmem>>, vector<1x16xf32>,
        %get3A_283 = vector.shape_cast %get3A_282 : vector<1x16xf32> to vector<16xf32>
        %mul3A_284 = arith.constant 8.000000e+00 : f32
        %mul3A_285 = vector.broadcast %mul3A_284 : f32 to vector<16xf32>
        %mul3A_286 = arith.mulf %get3A_283, %mul3A_285 : vector<16xf32>
        %swap3A_287 = arith.index_cast %while3A_53 : i32 to index
        %swap3A_288 = arith.constant 304 : index
        %swap3A_289 = tpu.vector_load %arg6[%swap3A_287, %swap3A_288] {strides = array<i32>} : memref<64x768xf32, #tpu.memory_space<vmem>>, vector<1x16xf32>,
        %swap3A_290 = vector.shape_cast %swap3A_289 : vector<1x16xf32> to vector<16xf32>
        %swap3A_291 = vector.shape_cast %mul3A_286 : vector<16xf32> to vector<1x16xf32>
        tpu.vector_store %arg6[%swap3A_287, %swap3A_288], %swap3A_291 {strides = array<i32>} : memref<64x768xf32, #tpu.memory_space<vmem>>, vector<1x16xf32>,
        %get3A_292 = arith.index_cast %while3A_53 : i32 to index
        %get3A_293 = arith.constant 320 : index
        %get3A_294 = tpu.vector_load %arg6[%get3A_292, %get3A_293] {strides = array<i32>} : memref<64x768xf32, #tpu.memory_space<vmem>>, vector<1x16xf32>,
        %get3A_295 = vector.shape_cast %get3A_294 : vector<1x16xf32> to vector<16xf32>
        %mul3A_296 = arith.constant 8.000000e+00 : f32
        %mul3A_297 = vector.broadcast %mul3A_296 : f32 to vector<16xf32>
        %mul3A_298 = arith.mulf %get3A_295, %mul3A_297 : vector<16xf32>
        %swap3A_299 = arith.index_cast %while3A_53 : i32 to index
        %swap3A_300 = arith.constant 320 : index
        %swap3A_301 = tpu.vector_load %arg6[%swap3A_299, %swap3A_300] {strides = array<i32>} : memref<64x768xf32, #tpu.memory_space<vmem>>, vector<1x16xf32>,
        %swap3A_302 = vector.shape_cast %swap3A_301 : vector<1x16xf32> to vector<16xf32>
        %swap3A_303 = vector.shape_cast %mul3A_298 : vector<16xf32> to vector<1x16xf32>
        tpu.vector_store %arg6[%swap3A_299, %swap3A_300], %swap3A_303 {strides = array<i32>} : memref<64x768xf32, #tpu.memory_space<vmem>>, vector<1x16xf32>,
        %get3A_304 = arith.index_cast %while3A_53 : i32 to index
        %get3A_305 = arith.constant 336 : index
        %get3A_306 = tpu.vector_load %arg6[%get3A_304, %get3A_305] {strides = array<i32>} : memref<64x768xf32, #tpu.memory_space<vmem>>, vector<1x16xf32>,
        %get3A_307 = vector.shape_cast %get3A_306 : vector<1x16xf32> to vector<16xf32>
        %mul3A_308 = arith.constant 8.000000e+00 : f32
        %mul3A_309 = vector.broadcast %mul3A_308 : f32 to vector<16xf32>
        %mul3A_310 = arith.mulf %get3A_307, %mul3A_309 : vector<16xf32>
        %swap3A_311 = arith.index_cast %while3A_53 : i32 to index
        %swap3A_312 = arith.constant 336 : index
        %swap3A_313 = tpu.vector_load %arg6[%swap3A_311, %swap3A_312] {strides = array<i32>} : memref<64x768xf32, #tpu.memory_space<vmem>>, vector<1x16xf32>,
        %swap3A_314 = vector.shape_cast %swap3A_313 : vector<1x16xf32> to vector<16xf32>
        %swap3A_315 = vector.shape_cast %mul3A_310 : vector<16xf32> to vector<1x16xf32>
        tpu.vector_store %arg6[%swap3A_311, %swap3A_312], %swap3A_315 {strides = array<i32>} : memref<64x768xf32, #tpu.memory_space<vmem>>, vector<1x16xf32>,
        %get3A_316 = arith.index_cast %while3A_53 : i32 to index
        %get3A_317 = arith.constant 352 : index
        %get3A_318 = tpu.vector_load %arg6[%get3A_316, %get3A_317] {strides = array<i32>} : memref<64x768xf32, #tpu.memory_space<vmem>>, vector<1x16xf32>,
        %get3A_319 = vector.shape_cast %get3A_318 : vector<1x16xf32> to vector<16xf32>
        %mul3A_320 = arith.constant 8.000000e+00 : f32
        %mul3A_321 = vector.broadcast %mul3A_320 : f32 to vector<16xf32>
        %mul3A_322 = arith.mulf %get3A_319, %mul3A_321 : vector<16xf32>
        %swap3A_323 = arith.index_cast %while3A_53 : i32 to index
        %swap3A_324 = arith.constant 352 : index
        %swap3A_325 = tpu.vector_load %arg6[%swap3A_323, %swap3A_324] {strides = array<i32>} : memref<64x768xf32, #tpu.memory_space<vmem>>, vector<1x16xf32>,
        %swap3A_326 = vector.shape_cast %swap3A_325 : vector<1x16xf32> to vector<16xf32>
        %swap3A_327 = vector.shape_cast %mul3A_322 : vector<16xf32> to vector<1x16xf32>
        tpu.vector_store %arg6[%swap3A_323, %swap3A_324], %swap3A_327 {strides = array<i32>} : memref<64x768xf32, #tpu.memory_space<vmem>>, vector<1x16xf32>,
        %get3A_328 = arith.index_cast %while3A_53 : i32 to index
        %get3A_329 = arith.constant 368 : index
        %get3A_330 = tpu.vector_load %arg6[%get3A_328, %get3A_329] {strides = array<i32>} : memref<64x768xf32, #tpu.memory_space<vmem>>, vector<1x16xf32>,
        %get3A_331 = vector.shape_cast %get3A_330 : vector<1x16xf32> to vector<16xf32>
        %mul3A_332 = arith.constant 8.000000e+00 : f32
        %mul3A_333 = vector.broadcast %mul3A_332 : f32 to vector<16xf32>
        %mul3A_334 = arith.mulf %get3A_331, %mul3A_333 : vector<16xf32>
        %swap3A_335 = arith.index_cast %while3A_53 : i32 to index
        %swap3A_336 = arith.constant 368 : index
        %swap3A_337 = tpu.vector_load %arg6[%swap3A_335, %swap3A_336] {strides = array<i32>} : memref<64x768xf32, #tpu.memory_space<vmem>>, vector<1x16xf32>,
        %swap3A_338 = vector.shape_cast %swap3A_337 : vector<1x16xf32> to vector<16xf32>
        %swap3A_339 = vector.shape_cast %mul3A_334 : vector<16xf32> to vector<1x16xf32>
        tpu.vector_store %arg6[%swap3A_335, %swap3A_336], %swap3A_339 {strides = array<i32>} : memref<64x768xf32, #tpu.memory_space<vmem>>, vector<1x16xf32>,
        %get3A_340 = arith.index_cast %while3A_53 : i32 to index
        %get3A_341 = arith.constant 384 : index
        %get3A_342 = tpu.vector_load %arg6[%get3A_340, %get3A_341] {strides = array<i32>} : memref<64x768xf32, #tpu.memory_space<vmem>>, vector<1x16xf32>,
        %get3A_343 = vector.shape_cast %get3A_342 : vector<1x16xf32> to vector<16xf32>
        %mul3A_344 = arith.constant 8.000000e+00 : f32
        %mul3A_345 = vector.broadcast %mul3A_344 : f32 to vector<16xf32>
        %mul3A_346 = arith.mulf %get3A_343, %mul3A_345 : vector<16xf32>
        %swap3A_347 = arith.index_cast %while3A_53 : i32 to index
        %swap3A_348 = arith.constant 384 : index
        %swap3A_349 = tpu.vector_load %arg6[%swap3A_347, %swap3A_348] {strides = array<i32>} : memref<64x768xf32, #tpu.memory_space<vmem>>, vector<1x16xf32>,
        %swap3A_350 = vector.shape_cast %swap3A_349 : vector<1x16xf32> to vector<16xf32>
        %swap3A_351 = vector.shape_cast %mul3A_346 : vector<16xf32> to vector<1x16xf32>
        tpu.vector_store %arg6[%swap3A_347, %swap3A_348], %swap3A_351 {strides = array<i32>} : memref<64x768xf32, #tpu.memory_space<vmem>>, vector<1x16xf32>,
        %get3A_352 = arith.index_cast %while3A_53 : i32 to index
        %get3A_353 = arith.constant 400 : index
        %get3A_354 = tpu.vector_load %arg6[%get3A_352, %get3A_353] {strides = array<i32>} : memref<64x768xf32, #tpu.memory_space<vmem>>, vector<1x16xf32>,
        %get3A_355 = vector.shape_cast %get3A_354 : vector<1x16xf32> to vector<16xf32>
        %mul3A_356 = arith.constant 8.000000e+00 : f32
        %mul3A_357 = vector.broadcast %mul3A_356 : f32 to vector<16xf32>
        %mul3A_358 = arith.mulf %get3A_355, %mul3A_357 : vector<16xf32>
        %swap3A_359 = arith.index_cast %while3A_53 : i32 to index
        %swap3A_360 = arith.constant 400 : index
        %swap3A_361 = tpu.vector_load %arg6[%swap3A_359, %swap3A_360] {strides = array<i32>} : memref<64x768xf32, #tpu.memory_space<vmem>>, vector<1x16xf32>,
        %swap3A_362 = vector.shape_cast %swap3A_361 : vector<1x16xf32> to vector<16xf32>
        %swap3A_363 = vector.shape_cast %mul3A_358 : vector<16xf32> to vector<1x16xf32>
        tpu.vector_store %arg6[%swap3A_359, %swap3A_360], %swap3A_363 {strides = array<i32>} : memref<64x768xf32, #tpu.memory_space<vmem>>, vector<1x16xf32>,
        %get3A_364 = arith.index_cast %while3A_53 : i32 to index
        %get3A_365 = arith.constant 416 : index
        %get3A_366 = tpu.vector_load %arg6[%get3A_364, %get3A_365] {strides = array<i32>} : memref<64x768xf32, #tpu.memory_space<vmem>>, vector<1x16xf32>,
        %get3A_367 = vector.shape_cast %get3A_366 : vector<1x16xf32> to vector<16xf32>
        %mul3A_368 = arith.constant 8.000000e+00 : f32
        %mul3A_369 = vector.broadcast %mul3A_368 : f32 to vector<16xf32>
        %mul3A_370 = arith.mulf %get3A_367, %mul3A_369 : vector<16xf32>
        %swap3A_371 = arith.index_cast %while3A_53 : i32 to index
        %swap3A_372 = arith.constant 416 : index
        %swap3A_373 = tpu.vector_load %arg6[%swap3A_371, %swap3A_372] {strides = array<i32>} : memref<64x768xf32, #tpu.memory_space<vmem>>, vector<1x16xf32>,
        %swap3A_374 = vector.shape_cast %swap3A_373 : vector<1x16xf32> to vector<16xf32>
        %swap3A_375 = vector.shape_cast %mul3A_370 : vector<16xf32> to vector<1x16xf32>
        tpu.vector_store %arg6[%swap3A_371, %swap3A_372], %swap3A_375 {strides = array<i32>} : memref<64x768xf32, #tpu.memory_space<vmem>>, vector<1x16xf32>,
        %get3A_376 = arith.index_cast %while3A_53 : i32 to index
        %get3A_377 = arith.constant 432 : index
        %get3A_378 = tpu.vector_load %arg6[%get3A_376, %get3A_377] {strides = array<i32>} : memref<64x768xf32, #tpu.memory_space<vmem>>, vector<1x16xf32>,
        %get3A_379 = vector.shape_cast %get3A_378 : vector<1x16xf32> to vector<16xf32>
        %mul3A_380 = arith.constant 8.000000e+00 : f32
        %mul3A_381 = vector.broadcast %mul3A_380 : f32 to vector<16xf32>
        %mul3A_382 = arith.mulf %get3A_379, %mul3A_381 : vector<16xf32>
        %swap3A_383 = arith.index_cast %while3A_53 : i32 to index
        %swap3A_384 = arith.constant 432 : index
        %swap3A_385 = tpu.vector_load %arg6[%swap3A_383, %swap3A_384] {strides = array<i32>} : memref<64x768xf32, #tpu.memory_space<vmem>>, vector<1x16xf32>,
        %swap3A_386 = vector.shape_cast %swap3A_385 : vector<1x16xf32> to vector<16xf32>
        %swap3A_387 = vector.shape_cast %mul3A_382 : vector<16xf32> to vector<1x16xf32>
        tpu.vector_store %arg6[%swap3A_383, %swap3A_384], %swap3A_387 {strides = array<i32>} : memref<64x768xf32, #tpu.memory_space<vmem>>, vector<1x16xf32>,
        %get3A_388 = arith.index_cast %while3A_53 : i32 to index
        %get3A_389 = arith.constant 448 : index
        %get3A_390 = tpu.vector_load %arg6[%get3A_388, %get3A_389] {strides = array<i32>} : memref<64x768xf32, #tpu.memory_space<vmem>>, vector<1x16xf32>,
        %get3A_391 = vector.shape_cast %get3A_390 : vector<1x16xf32> to vector<16xf32>
        %mul3A_392 = arith.constant 8.000000e+00 : f32
        %mul3A_393 = vector.broadcast %mul3A_392 : f32 to vector<16xf32>
        %mul3A_394 = arith.mulf %get3A_391, %mul3A_393 : vector<16xf32>
        %swap3A_395 = arith.index_cast %while3A_53 : i32 to index
        %swap3A_396 = arith.constant 448 : index
        %swap3A_397 = tpu.vector_load %arg6[%swap3A_395, %swap3A_396] {strides = array<i32>} : memref<64x768xf32, #tpu.memory_space<vmem>>, vector<1x16xf32>,
        %swap3A_398 = vector.shape_cast %swap3A_397 : vector<1x16xf32> to vector<16xf32>
        %swap3A_399 = vector.shape_cast %mul3A_394 : vector<16xf32> to vector<1x16xf32>
        tpu.vector_store %arg6[%swap3A_395, %swap3A_396], %swap3A_399 {strides = array<i32>} : memref<64x768xf32, #tpu.memory_space<vmem>>, vector<1x16xf32>,
        %get3A_400 = arith.index_cast %while3A_53 : i32 to index
        %get3A_401 = arith.constant 464 : index
        %get3A_402 = tpu.vector_load %arg6[%get3A_400, %get3A_401] {strides = array<i32>} : memref<64x768xf32, #tpu.memory_space<vmem>>, vector<1x16xf32>,
        %get3A_403 = vector.shape_cast %get3A_402 : vector<1x16xf32> to vector<16xf32>
        %mul3A_404 = arith.constant 8.000000e+00 : f32
        %mul3A_405 = vector.broadcast %mul3A_404 : f32 to vector<16xf32>
        %mul3A_406 = arith.mulf %get3A_403, %mul3A_405 : vector<16xf32>
        %swap3A_407 = arith.index_cast %while3A_53 : i32 to index
        %swap3A_408 = arith.constant 464 : index
        %swap3A_409 = tpu.vector_load %arg6[%swap3A_407, %swap3A_408] {strides = array<i32>} : memref<64x768xf32, #tpu.memory_space<vmem>>, vector<1x16xf32>,
        %swap3A_410 = vector.shape_cast %swap3A_409 : vector<1x16xf32> to vector<16xf32>
        %swap3A_411 = vector.shape_cast %mul3A_406 : vector<16xf32> to vector<1x16xf32>
        tpu.vector_store %arg6[%swap3A_407, %swap3A_408], %swap3A_411 {strides = array<i32>} : memref<64x768xf32, #tpu.memory_space<vmem>>, vector<1x16xf32>,
        %get3A_412 = arith.index_cast %while3A_53 : i32 to index
        %get3A_413 = arith.constant 480 : index
        %get3A_414 = tpu.vector_load %arg6[%get3A_412, %get3A_413] {strides = array<i32>} : memref<64x768xf32, #tpu.memory_space<vmem>>, vector<1x16xf32>,
        %get3A_415 = vector.shape_cast %get3A_414 : vector<1x16xf32> to vector<16xf32>
        %mul3A_416 = arith.constant 8.000000e+00 : f32
        %mul3A_417 = vector.broadcast %mul3A_416 : f32 to vector<16xf32>
        %mul3A_418 = arith.mulf %get3A_415, %mul3A_417 : vector<16xf32>
        %swap3A_419 = arith.index_cast %while3A_53 : i32 to index
        %swap3A_420 = arith.constant 480 : index
        %swap3A_421 = tpu.vector_load %arg6[%swap3A_419, %swap3A_420] {strides = array<i32>} : memref<64x768xf32, #tpu.memory_space<vmem>>, vector<1x16xf32>,
        %swap3A_422 = vector.shape_cast %swap3A_421 : vector<1x16xf32> to vector<16xf32>
        %swap3A_423 = vector.shape_cast %mul3A_418 : vector<16xf32> to vector<1x16xf32>
        tpu.vector_store %arg6[%swap3A_419, %swap3A_420], %swap3A_423 {strides = array<i32>} : memref<64x768xf32, #tpu.memory_space<vmem>>, vector<1x16xf32>,
        %get3A_424 = arith.index_cast %while3A_53 : i32 to index
        %get3A_425 = arith.constant 496 : index
        %get3A_426 = tpu.vector_load %arg6[%get3A_424, %get3A_425] {strides = array<i32>} : memref<64x768xf32, #tpu.memory_space<vmem>>, vector<1x16xf32>,
        %get3A_427 = vector.shape_cast %get3A_426 : vector<1x16xf32> to vector<16xf32>
        %mul3A_428 = arith.constant 8.000000e+00 : f32
        %mul3A_429 = vector.broadcast %mul3A_428 : f32 to vector<16xf32>
        %mul3A_430 = arith.mulf %get3A_427, %mul3A_429 : vector<16xf32>
        %swap3A_431 = arith.index_cast %while3A_53 : i32 to index
        %swap3A_432 = arith.constant 496 : index
        %swap3A_433 = tpu.vector_load %arg6[%swap3A_431, %swap3A_432] {strides = array<i32>} : memref<64x768xf32, #tpu.memory_space<vmem>>, vector<1x16xf32>,
        %swap3A_434 = vector.shape_cast %swap3A_433 : vector<1x16xf32> to vector<16xf32>
        %swap3A_435 = vector.shape_cast %mul3A_430 : vector<16xf32> to vector<1x16xf32>
        tpu.vector_store %arg6[%swap3A_431, %swap3A_432], %swap3A_435 {strides = array<i32>} : memref<64x768xf32, #tpu.memory_space<vmem>>, vector<1x16xf32>,
        %get3A_436 = arith.index_cast %while3A_53 : i32 to index
        %get3A_437 = arith.constant 512 : index
        %get3A_438 = tpu.vector_load %arg6[%get3A_436, %get3A_437] {strides = array<i32>} : memref<64x768xf32, #tpu.memory_space<vmem>>, vector<1x16xf32>,
        %get3A_439 = vector.shape_cast %get3A_438 : vector<1x16xf32> to vector<16xf32>
        %mul3A_440 = arith.constant 8.000000e+00 : f32
        %mul3A_441 = vector.broadcast %mul3A_440 : f32 to vector<16xf32>
        %mul3A_442 = arith.mulf %get3A_439, %mul3A_441 : vector<16xf32>
        %swap3A_443 = arith.index_cast %while3A_53 : i32 to index
        %swap3A_444 = arith.constant 512 : index
        %swap3A_445 = tpu.vector_load %arg6[%swap3A_443, %swap3A_444] {strides = array<i32>} : memref<64x768xf32, #tpu.memory_space<vmem>>, vector<1x16xf32>,
        %swap3A_446 = vector.shape_cast %swap3A_445 : vector<1x16xf32> to vector<16xf32>
        %swap3A_447 = vector.shape_cast %mul3A_442 : vector<16xf32> to vector<1x16xf32>
        tpu.vector_store %arg6[%swap3A_443, %swap3A_444], %swap3A_447 {strides = array<i32>} : memref<64x768xf32, #tpu.memory_space<vmem>>, vector<1x16xf32>,
        %get3A_448 = arith.index_cast %while3A_53 : i32 to index
        %get3A_449 = arith.constant 528 : index
        %get3A_450 = tpu.vector_load %arg6[%get3A_448, %get3A_449] {strides = array<i32>} : memref<64x768xf32, #tpu.memory_space<vmem>>, vector<1x16xf32>,
        %get3A_451 = vector.shape_cast %get3A_450 : vector<1x16xf32> to vector<16xf32>
        %mul3A_452 = arith.constant 8.000000e+00 : f32
        %mul3A_453 = vector.broadcast %mul3A_452 : f32 to vector<16xf32>
        %mul3A_454 = arith.mulf %get3A_451, %mul3A_453 : vector<16xf32>
        %swap3A_455 = arith.index_cast %while3A_53 : i32 to index
        %swap3A_456 = arith.constant 528 : index
        %swap3A_457 = tpu.vector_load %arg6[%swap3A_455, %swap3A_456] {strides = array<i32>} : memref<64x768xf32, #tpu.memory_space<vmem>>, vector<1x16xf32>,
        %swap3A_458 = vector.shape_cast %swap3A_457 : vector<1x16xf32> to vector<16xf32>
        %swap3A_459 = vector.shape_cast %mul3A_454 : vector<16xf32> to vector<1x16xf32>
        tpu.vector_store %arg6[%swap3A_455, %swap3A_456], %swap3A_459 {strides = array<i32>} : memref<64x768xf32, #tpu.memory_space<vmem>>, vector<1x16xf32>,
        %get3A_460 = arith.index_cast %while3A_53 : i32 to index
        %get3A_461 = arith.constant 544 : index
        %get3A_462 = tpu.vector_load %arg6[%get3A_460, %get3A_461] {strides = array<i32>} : memref<64x768xf32, #tpu.memory_space<vmem>>, vector<1x16xf32>,
        %get3A_463 = vector.shape_cast %get3A_462 : vector<1x16xf32> to vector<16xf32>
        %mul3A_464 = arith.constant 8.000000e+00 : f32
        %mul3A_465 = vector.broadcast %mul3A_464 : f32 to vector<16xf32>
        %mul3A_466 = arith.mulf %get3A_463, %mul3A_465 : vector<16xf32>
        %swap3A_467 = arith.index_cast %while3A_53 : i32 to index
        %swap3A_468 = arith.constant 544 : index
        %swap3A_469 = tpu.vector_load %arg6[%swap3A_467, %swap3A_468] {strides = array<i32>} : memref<64x768xf32, #tpu.memory_space<vmem>>, vector<1x16xf32>,
        %swap3A_470 = vector.shape_cast %swap3A_469 : vector<1x16xf32> to vector<16xf32>
        %swap3A_471 = vector.shape_cast %mul3A_466 : vector<16xf32> to vector<1x16xf32>
        tpu.vector_store %arg6[%swap3A_467, %swap3A_468], %swap3A_471 {strides = array<i32>} : memref<64x768xf32, #tpu.memory_space<vmem>>, vector<1x16xf32>,
        %get3A_472 = arith.index_cast %while3A_53 : i32 to index
        %get3A_473 = arith.constant 560 : index
        %get3A_474 = tpu.vector_load %arg6[%get3A_472, %get3A_473] {strides = array<i32>} : memref<64x768xf32, #tpu.memory_space<vmem>>, vector<1x16xf32>,
        %get3A_475 = vector.shape_cast %get3A_474 : vector<1x16xf32> to vector<16xf32>
        %mul3A_476 = arith.constant 8.000000e+00 : f32
        %mul3A_477 = vector.broadcast %mul3A_476 : f32 to vector<16xf32>
        %mul3A_478 = arith.mulf %get3A_475, %mul3A_477 : vector<16xf32>
        %swap3A_479 = arith.index_cast %while3A_53 : i32 to index
        %swap3A_480 = arith.constant 560 : index
        %swap3A_481 = tpu.vector_load %arg6[%swap3A_479, %swap3A_480] {strides = array<i32>} : memref<64x768xf32, #tpu.memory_space<vmem>>, vector<1x16xf32>,
        %swap3A_482 = vector.shape_cast %swap3A_481 : vector<1x16xf32> to vector<16xf32>
        %swap3A_483 = vector.shape_cast %mul3A_478 : vector<16xf32> to vector<1x16xf32>
        tpu.vector_store %arg6[%swap3A_479, %swap3A_480], %swap3A_483 {strides = array<i32>} : memref<64x768xf32, #tpu.memory_space<vmem>>, vector<1x16xf32>,
        %get3A_484 = arith.index_cast %while3A_53 : i32 to index
        %get3A_485 = arith.constant 576 : index
        %get3A_486 = tpu.vector_load %arg6[%get3A_484, %get3A_485] {strides = array<i32>} : memref<64x768xf32, #tpu.memory_space<vmem>>, vector<1x16xf32>,
        %get3A_487 = vector.shape_cast %get3A_486 : vector<1x16xf32> to vector<16xf32>
        %mul3A_488 = arith.constant 8.000000e+00 : f32
        %mul3A_489 = vector.broadcast %mul3A_488 : f32 to vector<16xf32>
        %mul3A_490 = arith.mulf %get3A_487, %mul3A_489 : vector<16xf32>
        %swap3A_491 = arith.index_cast %while3A_53 : i32 to index
        %swap3A_492 = arith.constant 576 : index
        %swap3A_493 = tpu.vector_load %arg6[%swap3A_491, %swap3A_492] {strides = array<i32>} : memref<64x768xf32, #tpu.memory_space<vmem>>, vector<1x16xf32>,
        %swap3A_494 = vector.shape_cast %swap3A_493 : vector<1x16xf32> to vector<16xf32>
        %swap3A_495 = vector.shape_cast %mul3A_490 : vector<16xf32> to vector<1x16xf32>
        tpu.vector_store %arg6[%swap3A_491, %swap3A_492], %swap3A_495 {strides = array<i32>} : memref<64x768xf32, #tpu.memory_space<vmem>>, vector<1x16xf32>,
        %get3A_496 = arith.index_cast %while3A_53 : i32 to index
        %get3A_497 = arith.constant 592 : index
        %get3A_498 = tpu.vector_load %arg6[%get3A_496, %get3A_497] {strides = array<i32>} : memref<64x768xf32, #tpu.memory_space<vmem>>, vector<1x16xf32>,
        %get3A_499 = vector.shape_cast %get3A_498 : vector<1x16xf32> to vector<16xf32>
        %mul3A_500 = arith.constant 8.000000e+00 : f32
        %mul3A_501 = vector.broadcast %mul3A_500 : f32 to vector<16xf32>
        %mul3A_502 = arith.mulf %get3A_499, %mul3A_501 : vector<16xf32>
        %swap3A_503 = arith.index_cast %while3A_53 : i32 to index
        %swap3A_504 = arith.constant 592 : index
        %swap3A_505 = tpu.vector_load %arg6[%swap3A_503, %swap3A_504] {strides = array<i32>} : memref<64x768xf32, #tpu.memory_space<vmem>>, vector<1x16xf32>,
        %swap3A_506 = vector.shape_cast %swap3A_505 : vector<1x16xf32> to vector<16xf32>
        %swap3A_507 = vector.shape_cast %mul3A_502 : vector<16xf32> to vector<1x16xf32>
        tpu.vector_store %arg6[%swap3A_503, %swap3A_504], %swap3A_507 {strides = array<i32>} : memref<64x768xf32, #tpu.memory_space<vmem>>, vector<1x16xf32>,
        %get3A_508 = arith.index_cast %while3A_53 : i32 to index
        %get3A_509 = arith.constant 608 : index
        %get3A_510 = tpu.vector_load %arg6[%get3A_508, %get3A_509] {strides = array<i32>} : memref<64x768xf32, #tpu.memory_space<vmem>>, vector<1x16xf32>,
        %get3A_511 = vector.shape_cast %get3A_510 : vector<1x16xf32> to vector<16xf32>
        %mul3A_512 = arith.constant 8.000000e+00 : f32
        %mul3A_513 = vector.broadcast %mul3A_512 : f32 to vector<16xf32>
        %mul3A_514 = arith.mulf %get3A_511, %mul3A_513 : vector<16xf32>
        %swap3A_515 = arith.index_cast %while3A_53 : i32 to index
        %swap3A_516 = arith.constant 608 : index
        %swap3A_517 = tpu.vector_load %arg6[%swap3A_515, %swap3A_516] {strides = array<i32>} : memref<64x768xf32, #tpu.memory_space<vmem>>, vector<1x16xf32>,
        %swap3A_518 = vector.shape_cast %swap3A_517 : vector<1x16xf32> to vector<16xf32>
        %swap3A_519 = vector.shape_cast %mul3A_514 : vector<16xf32> to vector<1x16xf32>
        tpu.vector_store %arg6[%swap3A_515, %swap3A_516], %swap3A_519 {strides = array<i32>} : memref<64x768xf32, #tpu.memory_space<vmem>>, vector<1x16xf32>,
        %get3A_520 = arith.index_cast %while3A_53 : i32 to index
        %get3A_521 = arith.constant 624 : index
        %get3A_522 = tpu.vector_load %arg6[%get3A_520, %get3A_521] {strides = array<i32>} : memref<64x768xf32, #tpu.memory_space<vmem>>, vector<1x16xf32>,
        %get3A_523 = vector.shape_cast %get3A_522 : vector<1x16xf32> to vector<16xf32>
        %mul3A_524 = arith.constant 8.000000e+00 : f32
        %mul3A_525 = vector.broadcast %mul3A_524 : f32 to vector<16xf32>
        %mul3A_526 = arith.mulf %get3A_523, %mul3A_525 : vector<16xf32>
        %swap3A_527 = arith.index_cast %while3A_53 : i32 to index
        %swap3A_528 = arith.constant 624 : index
        %swap3A_529 = tpu.vector_load %arg6[%swap3A_527, %swap3A_528] {strides = array<i32>} : memref<64x768xf32, #tpu.memory_space<vmem>>, vector<1x16xf32>,
        %swap3A_530 = vector.shape_cast %swap3A_529 : vector<1x16xf32> to vector<16xf32>
        %swap3A_531 = vector.shape_cast %mul3A_526 : vector<16xf32> to vector<1x16xf32>
        tpu.vector_store %arg6[%swap3A_527, %swap3A_528], %swap3A_531 {strides = array<i32>} : memref<64x768xf32, #tpu.memory_space<vmem>>, vector<1x16xf32>,
        %get3A_532 = arith.index_cast %while3A_53 : i32 to index
        %get3A_533 = arith.constant 640 : index
        %get3A_534 = tpu.vector_load %arg6[%get3A_532, %get3A_533] {strides = array<i32>} : memref<64x768xf32, #tpu.memory_space<vmem>>, vector<1x16xf32>,
        %get3A_535 = vector.shape_cast %get3A_534 : vector<1x16xf32> to vector<16xf32>
        %mul3A_536 = arith.constant 8.000000e+00 : f32
        %mul3A_537 = vector.broadcast %mul3A_536 : f32 to vector<16xf32>
        %mul3A_538 = arith.mulf %get3A_535, %mul3A_537 : vector<16xf32>
        %swap3A_539 = arith.index_cast %while3A_53 : i32 to index
        %swap3A_540 = arith.constant 640 : index
        %swap3A_541 = tpu.vector_load %arg6[%swap3A_539, %swap3A_540] {strides = array<i32>} : memref<64x768xf32, #tpu.memory_space<vmem>>, vector<1x16xf32>,
        %swap3A_542 = vector.shape_cast %swap3A_541 : vector<1x16xf32> to vector<16xf32>
        %swap3A_543 = vector.shape_cast %mul3A_538 : vector<16xf32> to vector<1x16xf32>
        tpu.vector_store %arg6[%swap3A_539, %swap3A_540], %swap3A_543 {strides = array<i32>} : memref<64x768xf32, #tpu.memory_space<vmem>>, vector<1x16xf32>,
        %get3A_544 = arith.index_cast %while3A_53 : i32 to index
        %get3A_545 = arith.constant 656 : index
        %get3A_546 = tpu.vector_load %arg6[%get3A_544, %get3A_545] {strides = array<i32>} : memref<64x768xf32, #tpu.memory_space<vmem>>, vector<1x16xf32>,
        %get3A_547 = vector.shape_cast %get3A_546 : vector<1x16xf32> to vector<16xf32>
        %mul3A_548 = arith.constant 8.000000e+00 : f32
        %mul3A_549 = vector.broadcast %mul3A_548 : f32 to vector<16xf32>
        %mul3A_550 = arith.mulf %get3A_547, %mul3A_549 : vector<16xf32>
        %swap3A_551 = arith.index_cast %while3A_53 : i32 to index
        %swap3A_552 = arith.constant 656 : index
        %swap3A_553 = tpu.vector_load %arg6[%swap3A_551, %swap3A_552] {strides = array<i32>} : memref<64x768xf32, #tpu.memory_space<vmem>>, vector<1x16xf32>,
        %swap3A_554 = vector.shape_cast %swap3A_553 : vector<1x16xf32> to vector<16xf32>
        %swap3A_555 = vector.shape_cast %mul3A_550 : vector<16xf32> to vector<1x16xf32>
        tpu.vector_store %arg6[%swap3A_551, %swap3A_552], %swap3A_555 {strides = array<i32>} : memref<64x768xf32, #tpu.memory_space<vmem>>, vector<1x16xf32>,
        %get3A_556 = arith.index_cast %while3A_53 : i32 to index
        %get3A_557 = arith.constant 672 : index
        %get3A_558 = tpu.vector_load %arg6[%get3A_556, %get3A_557] {strides = array<i32>} : memref<64x768xf32, #tpu.memory_space<vmem>>, vector<1x16xf32>,
        %get3A_559 = vector.shape_cast %get3A_558 : vector<1x16xf32> to vector<16xf32>
        %mul3A_560 = arith.constant 8.000000e+00 : f32
        %mul3A_561 = vector.broadcast %mul3A_560 : f32 to vector<16xf32>
        %mul3A_562 = arith.mulf %get3A_559, %mul3A_561 : vector<16xf32>
        %swap3A_563 = arith.index_cast %while3A_53 : i32 to index
        %swap3A_564 = arith.constant 672 : index
        %swap3A_565 = tpu.vector_load %arg6[%swap3A_563, %swap3A_564] {strides = array<i32>} : memref<64x768xf32, #tpu.memory_space<vmem>>, vector<1x16xf32>,
        %swap3A_566 = vector.shape_cast %swap3A_565 : vector<1x16xf32> to vector<16xf32>
        %swap3A_567 = vector.shape_cast %mul3A_562 : vector<16xf32> to vector<1x16xf32>
        tpu.vector_store %arg6[%swap3A_563, %swap3A_564], %swap3A_567 {strides = array<i32>} : memref<64x768xf32, #tpu.memory_space<vmem>>, vector<1x16xf32>,
        %get3A_568 = arith.index_cast %while3A_53 : i32 to index
        %get3A_569 = arith.constant 688 : index
        %get3A_570 = tpu.vector_load %arg6[%get3A_568, %get3A_569] {strides = array<i32>} : memref<64x768xf32, #tpu.memory_space<vmem>>, vector<1x16xf32>,
        %get3A_571 = vector.shape_cast %get3A_570 : vector<1x16xf32> to vector<16xf32>
        %mul3A_572 = arith.constant 8.000000e+00 : f32
        %mul3A_573 = vector.broadcast %mul3A_572 : f32 to vector<16xf32>
        %mul3A_574 = arith.mulf %get3A_571, %mul3A_573 : vector<16xf32>
        %swap3A_575 = arith.index_cast %while3A_53 : i32 to index
        %swap3A_576 = arith.constant 688 : index
        %swap3A_577 = tpu.vector_load %arg6[%swap3A_575, %swap3A_576] {strides = array<i32>} : memref<64x768xf32, #tpu.memory_space<vmem>>, vector<1x16xf32>,
        %swap3A_578 = vector.shape_cast %swap3A_577 : vector<1x16xf32> to vector<16xf32>
        %swap3A_579 = vector.shape_cast %mul3A_574 : vector<16xf32> to vector<1x16xf32>
        tpu.vector_store %arg6[%swap3A_575, %swap3A_576], %swap3A_579 {strides = array<i32>} : memref<64x768xf32, #tpu.memory_space<vmem>>, vector<1x16xf32>,
        %get3A_580 = arith.index_cast %while3A_53 : i32 to index
        %get3A_581 = arith.constant 704 : index
        %get3A_582 = tpu.vector_load %arg6[%get3A_580, %get3A_581] {strides = array<i32>} : memref<64x768xf32, #tpu.memory_space<vmem>>, vector<1x16xf32>,
        %get3A_583 = vector.shape_cast %get3A_582 : vector<1x16xf32> to vector<16xf32>
        %mul3A_584 = arith.constant 8.000000e+00 : f32
        %mul3A_585 = vector.broadcast %mul3A_584 : f32 to vector<16xf32>
        %mul3A_586 = arith.mulf %get3A_583, %mul3A_585 : vector<16xf32>
        %swap3A_587 = arith.index_cast %while3A_53 : i32 to index
        %swap3A_588 = arith.constant 704 : index
        %swap3A_589 = tpu.vector_load %arg6[%swap3A_587, %swap3A_588] {strides = array<i32>} : memref<64x768xf32, #tpu.memory_space<vmem>>, vector<1x16xf32>,
        %swap3A_590 = vector.shape_cast %swap3A_589 : vector<1x16xf32> to vector<16xf32>
        %swap3A_591 = vector.shape_cast %mul3A_586 : vector<16xf32> to vector<1x16xf32>
        tpu.vector_store %arg6[%swap3A_587, %swap3A_588], %swap3A_591 {strides = array<i32>} : memref<64x768xf32, #tpu.memory_space<vmem>>, vector<1x16xf32>,
        %get3A_592 = arith.index_cast %while3A_53 : i32 to index
        %get3A_593 = arith.constant 720 : index
        %get3A_594 = tpu.vector_load %arg6[%get3A_592, %get3A_593] {strides = array<i32>} : memref<64x768xf32, #tpu.memory_space<vmem>>, vector<1x16xf32>,
        %get3A_595 = vector.shape_cast %get3A_594 : vector<1x16xf32> to vector<16xf32>
        %mul3A_596 = arith.constant 8.000000e+00 : f32
        %mul3A_597 = vector.broadcast %mul3A_596 : f32 to vector<16xf32>
        %mul3A_598 = arith.mulf %get3A_595, %mul3A_597 : vector<16xf32>
        %swap3A_599 = arith.index_cast %while3A_53 : i32 to index
        %swap3A_600 = arith.constant 720 : index
        %swap3A_601 = tpu.vector_load %arg6[%swap3A_599, %swap3A_600] {strides = array<i32>} : memref<64x768xf32, #tpu.memory_space<vmem>>, vector<1x16xf32>,
        %swap3A_602 = vector.shape_cast %swap3A_601 : vector<1x16xf32> to vector<16xf32>
        %swap3A_603 = vector.shape_cast %mul3A_598 : vector<16xf32> to vector<1x16xf32>
        tpu.vector_store %arg6[%swap3A_599, %swap3A_600], %swap3A_603 {strides = array<i32>} : memref<64x768xf32, #tpu.memory_space<vmem>>, vector<1x16xf32>,
        %get3A_604 = arith.index_cast %while3A_53 : i32 to index
        %get3A_605 = arith.constant 736 : index
        %get3A_606 = tpu.vector_load %arg6[%get3A_604, %get3A_605] {strides = array<i32>} : memref<64x768xf32, #tpu.memory_space<vmem>>, vector<1x16xf32>,
        %get3A_607 = vector.shape_cast %get3A_606 : vector<1x16xf32> to vector<16xf32>
        %mul3A_608 = arith.constant 8.000000e+00 : f32
        %mul3A_609 = vector.broadcast %mul3A_608 : f32 to vector<16xf32>
        %mul3A_610 = arith.mulf %get3A_607, %mul3A_609 : vector<16xf32>
        %swap3A_611 = arith.index_cast %while3A_53 : i32 to index
        %swap3A_612 = arith.constant 736 : index
        %swap3A_613 = tpu.vector_load %arg6[%swap3A_611, %swap3A_612] {strides = array<i32>} : memref<64x768xf32, #tpu.memory_space<vmem>>, vector<1x16xf32>,
        %swap3A_614 = vector.shape_cast %swap3A_613 : vector<1x16xf32> to vector<16xf32>
        %swap3A_615 = vector.shape_cast %mul3A_610 : vector<16xf32> to vector<1x16xf32>
        tpu.vector_store %arg6[%swap3A_611, %swap3A_612], %swap3A_615 {strides = array<i32>} : memref<64x768xf32, #tpu.memory_space<vmem>>, vector<1x16xf32>,
        %get3A_616 = arith.index_cast %while3A_53 : i32 to index
        %get3A_617 = arith.constant 752 : index
        %get3A_618 = tpu.vector_load %arg6[%get3A_616, %get3A_617] {strides = array<i32>} : memref<64x768xf32, #tpu.memory_space<vmem>>, vector<1x16xf32>,
        %get3A_619 = vector.shape_cast %get3A_618 : vector<1x16xf32> to vector<16xf32>
        %mul3A_620 = arith.constant 8.000000e+00 : f32
        %mul3A_621 = vector.broadcast %mul3A_620 : f32 to vector<16xf32>
        %mul3A_622 = arith.mulf %get3A_619, %mul3A_621 : vector<16xf32>
        %swap3A_623 = arith.index_cast %while3A_53 : i32 to index
        %swap3A_624 = arith.constant 752 : index
        %swap3A_625 = tpu.vector_load %arg6[%swap3A_623, %swap3A_624] {strides = array<i32>} : memref<64x768xf32, #tpu.memory_space<vmem>>, vector<1x16xf32>,
        %swap3A_626 = vector.shape_cast %swap3A_625 : vector<1x16xf32> to vector<16xf32>
        %swap3A_627 = vector.shape_cast %mul3A_622 : vector<16xf32> to vector<1x16xf32>
        tpu.vector_store %arg6[%swap3A_623, %swap3A_624], %swap3A_627 {strides = array<i32>} : memref<64x768xf32, #tpu.memory_space<vmem>>, vector<1x16xf32>,
      }
      %while3A_40 = arith.constant 1 : i32
      scf.for %while3A_53 = %while3A_38 to %while3A_34 step %while3A_40  : i32 {
        %get3A = arith.index_cast %while3A_53 : i32 to index
        %get3A_54 = arith.constant 0 : index
        %get3A_55 = tpu.vector_load %arg6[%get3A, %get3A_54] {strides = array<i32>} : memref<64x768xf32, #tpu.memory_space<vmem>>, vector<1x16xf32>,
        %get3A_56 = vector.shape_cast %get3A_55 : vector<1x16xf32> to vector<16xf32>
        %mul3A_57 = arith.constant 8.000000e+00 : f32
        %mul3A_58 = vector.broadcast %mul3A_57 : f32 to vector<16xf32>
        %mul3A_59 = arith.mulf %get3A_56, %mul3A_58 : vector<16xf32>
        %swap3A = arith.index_cast %while3A_53 : i32 to index
        %swap3A_60 = arith.constant 0 : index
        %swap3A_61 = tpu.vector_load %arg6[%swap3A, %swap3A_60] {strides = array<i32>} : memref<64x768xf32, #tpu.memory_space<vmem>>, vector<1x16xf32>,
        %swap3A_62 = vector.shape_cast %swap3A_61 : vector<1x16xf32> to vector<16xf32>
        %swap3A_63 = vector.shape_cast %mul3A_59 : vector<16xf32> to vector<1x16xf32>
        tpu.vector_store %arg6[%swap3A, %swap3A_60], %swap3A_63 {strides = array<i32>} : memref<64x768xf32, #tpu.memory_space<vmem>>, vector<1x16xf32>,
        %get3A_64 = arith.index_cast %while3A_53 : i32 to index
        %get3A_65 = arith.constant 16 : index
        %get3A_66 = tpu.vector_load %arg6[%get3A_64, %get3A_65] {strides = array<i32>} : memref<64x768xf32, #tpu.memory_space<vmem>>, vector<1x16xf32>,
        %get3A_67 = vector.shape_cast %get3A_66 : vector<1x16xf32> to vector<16xf32>
        %mul3A_68 = arith.constant 8.000000e+00 : f32
        %mul3A_69 = vector.broadcast %mul3A_68 : f32 to vector<16xf32>
        %mul3A_70 = arith.mulf %get3A_67, %mul3A_69 : vector<16xf32>
        %swap3A_71 = arith.index_cast %while3A_53 : i32 to index
        %swap3A_72 = arith.constant 16 : index
        %swap3A_73 = tpu.vector_load %arg6[%swap3A_71, %swap3A_72] {strides = array<i32>} : memref<64x768xf32, #tpu.memory_space<vmem>>, vector<1x16xf32>,
        %swap3A_74 = vector.shape_cast %swap3A_73 : vector<1x16xf32> to vector<16xf32>
        %swap3A_75 = vector.shape_cast %mul3A_70 : vector<16xf32> to vector<1x16xf32>
        tpu.vector_store %arg6[%swap3A_71, %swap3A_72], %swap3A_75 {strides = array<i32>} : memref<64x768xf32, #tpu.memory_space<vmem>>, vector<1x16xf32>,
        %get3A_76 = arith.index_cast %while3A_53 : i32 to index
        %get3A_77 = arith.constant 32 : index
        %get3A_78 = tpu.vector_load %arg6[%get3A_76, %get3A_77] {strides = array<i32>} : memref<64x768xf32, #tpu.memory_space<vmem>>, vector<1x16xf32>,
        %get3A_79 = vector.shape_cast %get3A_78 : vector<1x16xf32> to vector<16xf32>
        %mul3A_80 = arith.constant 8.000000e+00 : f32
        %mul3A_81 = vector.broadcast %mul3A_80 : f32 to vector<16xf32>
        %mul3A_82 = arith.mulf %get3A_79, %mul3A_81 : vector<16xf32>
        %swap3A_83 = arith.index_cast %while3A_53 : i32 to index
        %swap3A_84 = arith.constant 32 : index
        %swap3A_85 = tpu.vector_load %arg6[%swap3A_83, %swap3A_84] {strides = array<i32>} : memref<64x768xf32, #tpu.memory_space<vmem>>, vector<1x16xf32>,
        %swap3A_86 = vector.shape_cast %swap3A_85 : vector<1x16xf32> to vector<16xf32>
        %swap3A_87 = vector.shape_cast %mul3A_82 : vector<16xf32> to vector<1x16xf32>
        tpu.vector_store %arg6[%swap3A_83, %swap3A_84], %swap3A_87 {strides = array<i32>} : memref<64x768xf32, #tpu.memory_space<vmem>>, vector<1x16xf32>,
        %get3A_88 = arith.index_cast %while3A_53 : i32 to index
        %get3A_89 = arith.constant 48 : index
        %get3A_90 = tpu.vector_load %arg6[%get3A_88, %get3A_89] {strides = array<i32>} : memref<64x768xf32, #tpu.memory_space<vmem>>, vector<1x16xf32>,
        %get3A_91 = vector.shape_cast %get3A_90 : vector<1x16xf32> to vector<16xf32>
        %mul3A_92 = arith.constant 8.000000e+00 : f32
        %mul3A_93 = vector.broadcast %mul3A_92 : f32 to vector<16xf32>
        %mul3A_94 = arith.mulf %get3A_91, %mul3A_93 : vector<16xf32>
        %swap3A_95 = arith.index_cast %while3A_53 : i32 to index
        %swap3A_96 = arith.constant 48 : index
        %swap3A_97 = tpu.vector_load %arg6[%swap3A_95, %swap3A_96] {strides = array<i32>} : memref<64x768xf32, #tpu.memory_space<vmem>>, vector<1x16xf32>,
        %swap3A_98 = vector.shape_cast %swap3A_97 : vector<1x16xf32> to vector<16xf32>
        %swap3A_99 = vector.shape_cast %mul3A_94 : vector<16xf32> to vector<1x16xf32>
        tpu.vector_store %arg6[%swap3A_95, %swap3A_96], %swap3A_99 {strides = array<i32>} : memref<64x768xf32, #tpu.memory_space<vmem>>, vector<1x16xf32>,
        %get3A_100 = arith.index_cast %while3A_53 : i32 to index
        %get3A_101 = arith.constant 64 : index
        %get3A_102 = tpu.vector_load %arg6[%get3A_100, %get3A_101] {strides = array<i32>} : memref<64x768xf32, #tpu.memory_space<vmem>>, vector<1x16xf32>,
        %get3A_103 = vector.shape_cast %get3A_102 : vector<1x16xf32> to vector<16xf32>
        %mul3A_104 = arith.constant 8.000000e+00 : f32
        %mul3A_105 = vector.broadcast %mul3A_104 : f32 to vector<16xf32>
        %mul3A_106 = arith.mulf %get3A_103, %mul3A_105 : vector<16xf32>
        %swap3A_107 = arith.index_cast %while3A_53 : i32 to index
        %swap3A_108 = arith.constant 64 : index
        %swap3A_109 = tpu.vector_load %arg6[%swap3A_107, %swap3A_108] {strides = array<i32>} : memref<64x768xf32, #tpu.memory_space<vmem>>, vector<1x16xf32>,
        %swap3A_110 = vector.shape_cast %swap3A_109 : vector<1x16xf32> to vector<16xf32>
        %swap3A_111 = vector.shape_cast %mul3A_106 : vector<16xf32> to vector<1x16xf32>
        tpu.vector_store %arg6[%swap3A_107, %swap3A_108], %swap3A_111 {strides = array<i32>} : memref<64x768xf32, #tpu.memory_space<vmem>>, vector<1x16xf32>,
        %get3A_112 = arith.index_cast %while3A_53 : i32 to index
        %get3A_113 = arith.constant 80 : index
        %get3A_114 = tpu.vector_load %arg6[%get3A_112, %get3A_113] {strides = array<i32>} : memref<64x768xf32, #tpu.memory_space<vmem>>, vector<1x16xf32>,
        %get3A_115 = vector.shape_cast %get3A_114 : vector<1x16xf32> to vector<16xf32>
        %mul3A_116 = arith.constant 8.000000e+00 : f32
        %mul3A_117 = vector.broadcast %mul3A_116 : f32 to vector<16xf32>
        %mul3A_118 = arith.mulf %get3A_115, %mul3A_117 : vector<16xf32>
        %swap3A_119 = arith.index_cast %while3A_53 : i32 to index
        %swap3A_120 = arith.constant 80 : index
        %swap3A_121 = tpu.vector_load %arg6[%swap3A_119, %swap3A_120] {strides = array<i32>} : memref<64x768xf32, #tpu.memory_space<vmem>>, vector<1x16xf32>,
        %swap3A_122 = vector.shape_cast %swap3A_121 : vector<1x16xf32> to vector<16xf32>
        %swap3A_123 = vector.shape_cast %mul3A_118 : vector<16xf32> to vector<1x16xf32>
        tpu.vector_store %arg6[%swap3A_119, %swap3A_120], %swap3A_123 {strides = array<i32>} : memref<64x768xf32, #tpu.memory_space<vmem>>, vector<1x16xf32>,
        %get3A_124 = arith.index_cast %while3A_53 : i32 to index
        %get3A_125 = arith.constant 96 : index
        %get3A_126 = tpu.vector_load %arg6[%get3A_124, %get3A_125] {strides = array<i32>} : memref<64x768xf32, #tpu.memory_space<vmem>>, vector<1x16xf32>,
        %get3A_127 = vector.shape_cast %get3A_126 : vector<1x16xf32> to vector<16xf32>
        %mul3A_128 = arith.constant 8.000000e+00 : f32
        %mul3A_129 = vector.broadcast %mul3A_128 : f32 to vector<16xf32>
        %mul3A_130 = arith.mulf %get3A_127, %mul3A_129 : vector<16xf32>
        %swap3A_131 = arith.index_cast %while3A_53 : i32 to index
        %swap3A_132 = arith.constant 96 : index
        %swap3A_133 = tpu.vector_load %arg6[%swap3A_131, %swap3A_132] {strides = array<i32>} : memref<64x768xf32, #tpu.memory_space<vmem>>, vector<1x16xf32>,
        %swap3A_134 = vector.shape_cast %swap3A_133 : vector<1x16xf32> to vector<16xf32>
        %swap3A_135 = vector.shape_cast %mul3A_130 : vector<16xf32> to vector<1x16xf32>
        tpu.vector_store %arg6[%swap3A_131, %swap3A_132], %swap3A_135 {strides = array<i32>} : memref<64x768xf32, #tpu.memory_space<vmem>>, vector<1x16xf32>,
        %get3A_136 = arith.index_cast %while3A_53 : i32 to index
        %get3A_137 = arith.constant 112 : index
        %get3A_138 = tpu.vector_load %arg6[%get3A_136, %get3A_137] {strides = array<i32>} : memref<64x768xf32, #tpu.memory_space<vmem>>, vector<1x16xf32>,
        %get3A_139 = vector.shape_cast %get3A_138 : vector<1x16xf32> to vector<16xf32>
        %mul3A_140 = arith.constant 8.000000e+00 : f32
        %mul3A_141 = vector.broadcast %mul3A_140 : f32 to vector<16xf32>
        %mul3A_142 = arith.mulf %get3A_139, %mul3A_141 : vector<16xf32>
        %swap3A_143 = arith.index_cast %while3A_53 : i32 to index
        %swap3A_144 = arith.constant 112 : index
        %swap3A_145 = tpu.vector_load %arg6[%swap3A_143, %swap3A_144] {strides = array<i32>} : memref<64x768xf32, #tpu.memory_space<vmem>>, vector<1x16xf32>,
        %swap3A_146 = vector.shape_cast %swap3A_145 : vector<1x16xf32> to vector<16xf32>
        %swap3A_147 = vector.shape_cast %mul3A_142 : vector<16xf32> to vector<1x16xf32>
        tpu.vector_store %arg6[%swap3A_143, %swap3A_144], %swap3A_147 {strides = array<i32>} : memref<64x768xf32, #tpu.memory_space<vmem>>, vector<1x16xf32>,
        %get3A_148 = arith.index_cast %while3A_53 : i32 to index
        %get3A_149 = arith.constant 128 : index
        %get3A_150 = tpu.vector_load %arg6[%get3A_148, %get3A_149] {strides = array<i32>} : memref<64x768xf32, #tpu.memory_space<vmem>>, vector<1x16xf32>,
        %get3A_151 = vector.shape_cast %get3A_150 : vector<1x16xf32> to vector<16xf32>
        %mul3A_152 = arith.constant 8.000000e+00 : f32
        %mul3A_153 = vector.broadcast %mul3A_152 : f32 to vector<16xf32>
        %mul3A_154 = arith.mulf %get3A_151, %mul3A_153 : vector<16xf32>
        %swap3A_155 = arith.index_cast %while3A_53 : i32 to index
        %swap3A_156 = arith.constant 128 : index
        %swap3A_157 = tpu.vector_load %arg6[%swap3A_155, %swap3A_156] {strides = array<i32>} : memref<64x768xf32, #tpu.memory_space<vmem>>, vector<1x16xf32>,
        %swap3A_158 = vector.shape_cast %swap3A_157 : vector<1x16xf32> to vector<16xf32>
        %swap3A_159 = vector.shape_cast %mul3A_154 : vector<16xf32> to vector<1x16xf32>
        tpu.vector_store %arg6[%swap3A_155, %swap3A_156], %swap3A_159 {strides = array<i32>} : memref<64x768xf32, #tpu.memory_space<vmem>>, vector<1x16xf32>,
        %get3A_160 = arith.index_cast %while3A_53 : i32 to index
        %get3A_161 = arith.constant 144 : index
        %get3A_162 = tpu.vector_load %arg6[%get3A_160, %get3A_161] {strides = array<i32>} : memref<64x768xf32, #tpu.memory_space<vmem>>, vector<1x16xf32>,
        %get3A_163 = vector.shape_cast %get3A_162 : vector<1x16xf32> to vector<16xf32>
        %mul3A_164 = arith.constant 8.000000e+00 : f32
        %mul3A_165 = vector.broadcast %mul3A_164 : f32 to vector<16xf32>
        %mul3A_166 = arith.mulf %get3A_163, %mul3A_165 : vector<16xf32>
        %swap3A_167 = arith.index_cast %while3A_53 : i32 to index
        %swap3A_168 = arith.constant 144 : index
        %swap3A_169 = tpu.vector_load %arg6[%swap3A_167, %swap3A_168] {strides = array<i32>} : memref<64x768xf32, #tpu.memory_space<vmem>>, vector<1x16xf32>,
        %swap3A_170 = vector.shape_cast %swap3A_169 : vector<1x16xf32> to vector<16xf32>
        %swap3A_171 = vector.shape_cast %mul3A_166 : vector<16xf32> to vector<1x16xf32>
        tpu.vector_store %arg6[%swap3A_167, %swap3A_168], %swap3A_171 {strides = array<i32>} : memref<64x768xf32, #tpu.memory_space<vmem>>, vector<1x16xf32>,
        %get3A_172 = arith.index_cast %while3A_53 : i32 to index
        %get3A_173 = arith.constant 160 : index
        %get3A_174 = tpu.vector_load %arg6[%get3A_172, %get3A_173] {strides = array<i32>} : memref<64x768xf32, #tpu.memory_space<vmem>>, vector<1x16xf32>,
        %get3A_175 = vector.shape_cast %get3A_174 : vector<1x16xf32> to vector<16xf32>
        %mul3A_176 = arith.constant 8.000000e+00 : f32
        %mul3A_177 = vector.broadcast %mul3A_176 : f32 to vector<16xf32>
        %mul3A_178 = arith.mulf %get3A_175, %mul3A_177 : vector<16xf32>
        %swap3A_179 = arith.index_cast %while3A_53 : i32 to index
        %swap3A_180 = arith.constant 160 : index
        %swap3A_181 = tpu.vector_load %arg6[%swap3A_179, %swap3A_180] {strides = array<i32>} : memref<64x768xf32, #tpu.memory_space<vmem>>, vector<1x16xf32>,
        %swap3A_182 = vector.shape_cast %swap3A_181 : vector<1x16xf32> to vector<16xf32>
        %swap3A_183 = vector.shape_cast %mul3A_178 : vector<16xf32> to vector<1x16xf32>
        tpu.vector_store %arg6[%swap3A_179, %swap3A_180], %swap3A_183 {strides = array<i32>} : memref<64x768xf32, #tpu.memory_space<vmem>>, vector<1x16xf32>,
        %get3A_184 = arith.index_cast %while3A_53 : i32 to index
        %get3A_185 = arith.constant 176 : index
        %get3A_186 = tpu.vector_load %arg6[%get3A_184, %get3A_185] {strides = array<i32>} : memref<64x768xf32, #tpu.memory_space<vmem>>, vector<1x16xf32>,
        %get3A_187 = vector.shape_cast %get3A_186 : vector<1x16xf32> to vector<16xf32>
        %mul3A_188 = arith.constant 8.000000e+00 : f32
        %mul3A_189 = vector.broadcast %mul3A_188 : f32 to vector<16xf32>
        %mul3A_190 = arith.mulf %get3A_187, %mul3A_189 : vector<16xf32>
        %swap3A_191 = arith.index_cast %while3A_53 : i32 to index
        %swap3A_192 = arith.constant 176 : index
        %swap3A_193 = tpu.vector_load %arg6[%swap3A_191, %swap3A_192] {strides = array<i32>} : memref<64x768xf32, #tpu.memory_space<vmem>>, vector<1x16xf32>,
        %swap3A_194 = vector.shape_cast %swap3A_193 : vector<1x16xf32> to vector<16xf32>
        %swap3A_195 = vector.shape_cast %mul3A_190 : vector<16xf32> to vector<1x16xf32>
        tpu.vector_store %arg6[%swap3A_191, %swap3A_192], %swap3A_195 {strides = array<i32>} : memref<64x768xf32, #tpu.memory_space<vmem>>, vector<1x16xf32>,
        %get3A_196 = arith.index_cast %while3A_53 : i32 to index
        %get3A_197 = arith.constant 192 : index
        %get3A_198 = tpu.vector_load %arg6[%get3A_196, %get3A_197] {strides = array<i32>} : memref<64x768xf32, #tpu.memory_space<vmem>>, vector<1x16xf32>,
        %get3A_199 = vector.shape_cast %get3A_198 : vector<1x16xf32> to vector<16xf32>
        %mul3A_200 = arith.constant 8.000000e+00 : f32
        %mul3A_201 = vector.broadcast %mul3A_200 : f32 to vector<16xf32>
        %mul3A_202 = arith.mulf %get3A_199, %mul3A_201 : vector<16xf32>
        %swap3A_203 = arith.index_cast %while3A_53 : i32 to index
        %swap3A_204 = arith.constant 192 : index
        %swap3A_205 = tpu.vector_load %arg6[%swap3A_203, %swap3A_204] {strides = array<i32>} : memref<64x768xf32, #tpu.memory_space<vmem>>, vector<1x16xf32>,
        %swap3A_206 = vector.shape_cast %swap3A_205 : vector<1x16xf32> to vector<16xf32>
        %swap3A_207 = vector.shape_cast %mul3A_202 : vector<16xf32> to vector<1x16xf32>
        tpu.vector_store %arg6[%swap3A_203, %swap3A_204], %swap3A_207 {strides = array<i32>} : memref<64x768xf32, #tpu.memory_space<vmem>>, vector<1x16xf32>,
        %get3A_208 = arith.index_cast %while3A_53 : i32 to index
        %get3A_209 = arith.constant 208 : index
        %get3A_210 = tpu.vector_load %arg6[%get3A_208, %get3A_209] {strides = array<i32>} : memref<64x768xf32, #tpu.memory_space<vmem>>, vector<1x16xf32>,
        %get3A_211 = vector.shape_cast %get3A_210 : vector<1x16xf32> to vector<16xf32>
        %mul3A_212 = arith.constant 8.000000e+00 : f32
        %mul3A_213 = vector.broadcast %mul3A_212 : f32 to vector<16xf32>
        %mul3A_214 = arith.mulf %get3A_211, %mul3A_213 : vector<16xf32>
        %swap3A_215 = arith.index_cast %while3A_53 : i32 to index
        %swap3A_216 = arith.constant 208 : index
        %swap3A_217 = tpu.vector_load %arg6[%swap3A_215, %swap3A_216] {strides = array<i32>} : memref<64x768xf32, #tpu.memory_space<vmem>>, vector<1x16xf32>,
        %swap3A_218 = vector.shape_cast %swap3A_217 : vector<1x16xf32> to vector<16xf32>
        %swap3A_219 = vector.shape_cast %mul3A_214 : vector<16xf32> to vector<1x16xf32>
        tpu.vector_store %arg6[%swap3A_215, %swap3A_216], %swap3A_219 {strides = array<i32>} : memref<64x768xf32, #tpu.memory_space<vmem>>, vector<1x16xf32>,
        %get3A_220 = arith.index_cast %while3A_53 : i32 to index
        %get3A_221 = arith.constant 224 : index
        %get3A_222 = tpu.vector_load %arg6[%get3A_220, %get3A_221] {strides = array<i32>} : memref<64x768xf32, #tpu.memory_space<vmem>>, vector<1x16xf32>,
        %get3A_223 = vector.shape_cast %get3A_222 : vector<1x16xf32> to vector<16xf32>
        %mul3A_224 = arith.constant 8.000000e+00 : f32
        %mul3A_225 = vector.broadcast %mul3A_224 : f32 to vector<16xf32>
        %mul3A_226 = arith.mulf %get3A_223, %mul3A_225 : vector<16xf32>
        %swap3A_227 = arith.index_cast %while3A_53 : i32 to index
        %swap3A_228 = arith.constant 224 : index
        %swap3A_229 = tpu.vector_load %arg6[%swap3A_227, %swap3A_228] {strides = array<i32>} : memref<64x768xf32, #tpu.memory_space<vmem>>, vector<1x16xf32>,
        %swap3A_230 = vector.shape_cast %swap3A_229 : vector<1x16xf32> to vector<16xf32>
        %swap3A_231 = vector.shape_cast %mul3A_226 : vector<16xf32> to vector<1x16xf32>
        tpu.vector_store %arg6[%swap3A_227, %swap3A_228], %swap3A_231 {strides = array<i32>} : memref<64x768xf32, #tpu.memory_space<vmem>>, vector<1x16xf32>,
        %get3A_232 = arith.index_cast %while3A_53 : i32 to index
        %get3A_233 = arith.constant 240 : index
        %get3A_234 = tpu.vector_load %arg6[%get3A_232, %get3A_233] {strides = array<i32>} : memref<64x768xf32, #tpu.memory_space<vmem>>, vector<1x16xf32>,
        %get3A_235 = vector.shape_cast %get3A_234 : vector<1x16xf32> to vector<16xf32>
        %mul3A_236 = arith.constant 8.000000e+00 : f32
        %mul3A_237 = vector.broadcast %mul3A_236 : f32 to vector<16xf32>
        %mul3A_238 = arith.mulf %get3A_235, %mul3A_237 : vector<16xf32>
        %swap3A_239 = arith.index_cast %while3A_53 : i32 to index
        %swap3A_240 = arith.constant 240 : index
        %swap3A_241 = tpu.vector_load %arg6[%swap3A_239, %swap3A_240] {strides = array<i32>} : memref<64x768xf32, #tpu.memory_space<vmem>>, vector<1x16xf32>,
        %swap3A_242 = vector.shape_cast %swap3A_241 : vector<1x16xf32> to vector<16xf32>
        %swap3A_243 = vector.shape_cast %mul3A_238 : vector<16xf32> to vector<1x16xf32>
        tpu.vector_store %arg6[%swap3A_239, %swap3A_240], %swap3A_243 {strides = array<i32>} : memref<64x768xf32, #tpu.memory_space<vmem>>, vector<1x16xf32>,
        %get3A_244 = arith.index_cast %while3A_53 : i32 to index
        %get3A_245 = arith.constant 256 : index
        %get3A_246 = tpu.vector_load %arg6[%get3A_244, %get3A_245] {strides = array<i32>} : memref<64x768xf32, #tpu.memory_space<vmem>>, vector<1x16xf32>,
        %get3A_247 = vector.shape_cast %get3A_246 : vector<1x16xf32> to vector<16xf32>
        %mul3A_248 = arith.constant 8.000000e+00 : f32
        %mul3A_249 = vector.broadcast %mul3A_248 : f32 to vector<16xf32>
        %mul3A_250 = arith.mulf %get3A_247, %mul3A_249 : vector<16xf32>
        %swap3A_251 = arith.index_cast %while3A_53 : i32 to index
        %swap3A_252 = arith.constant 256 : index
        %swap3A_253 = tpu.vector_load %arg6[%swap3A_251, %swap3A_252] {strides = array<i32>} : memref<64x768xf32, #tpu.memory_space<vmem>>, vector<1x16xf32>,
        %swap3A_254 = vector.shape_cast %swap3A_253 : vector<1x16xf32> to vector<16xf32>
        %swap3A_255 = vector.shape_cast %mul3A_250 : vector<16xf32> to vector<1x16xf32>
        tpu.vector_store %arg6[%swap3A_251, %swap3A_252], %swap3A_255 {strides = array<i32>} : memref<64x768xf32, #tpu.memory_space<vmem>>, vector<1x16xf32>,
        %get3A_256 = arith.index_cast %while3A_53 : i32 to index
        %get3A_257 = arith.constant 272 : index
        %get3A_258 = tpu.vector_load %arg6[%get3A_256, %get3A_257] {strides = array<i32>} : memref<64x768xf32, #tpu.memory_space<vmem>>, vector<1x16xf32>,
        %get3A_259 = vector.shape_cast %get3A_258 : vector<1x16xf32> to vector<16xf32>
        %mul3A_260 = arith.constant 8.000000e+00 : f32
        %mul3A_261 = vector.broadcast %mul3A_260 : f32 to vector<16xf32>
        %mul3A_262 = arith.mulf %get3A_259, %mul3A_261 : vector<16xf32>
        %swap3A_263 = arith.index_cast %while3A_53 : i32 to index
        %swap3A_264 = arith.constant 272 : index
        %swap3A_265 = tpu.vector_load %arg6[%swap3A_263, %swap3A_264] {strides = array<i32>} : memref<64x768xf32, #tpu.memory_space<vmem>>, vector<1x16xf32>,
        %swap3A_266 = vector.shape_cast %swap3A_265 : vector<1x16xf32> to vector<16xf32>
        %swap3A_267 = vector.shape_cast %mul3A_262 : vector<16xf32> to vector<1x16xf32>
        tpu.vector_store %arg6[%swap3A_263, %swap3A_264], %swap3A_267 {strides = array<i32>} : memref<64x768xf32, #tpu.memory_space<vmem>>, vector<1x16xf32>,
        %get3A_268 = arith.index_cast %while3A_53 : i32 to index
        %get3A_269 = arith.constant 288 : index
        %get3A_270 = tpu.vector_load %arg6[%get3A_268, %get3A_269] {strides = array<i32>} : memref<64x768xf32, #tpu.memory_space<vmem>>, vector<1x16xf32>,
        %get3A_271 = vector.shape_cast %get3A_270 : vector<1x16xf32> to vector<16xf32>
        %mul3A_272 = arith.constant 8.000000e+00 : f32
        %mul3A_273 = vector.broadcast %mul3A_272 : f32 to vector<16xf32>
        %mul3A_274 = arith.mulf %get3A_271, %mul3A_273 : vector<16xf32>
        %swap3A_275 = arith.index_cast %while3A_53 : i32 to index
        %swap3A_276 = arith.constant 288 : index
        %swap3A_277 = tpu.vector_load %arg6[%swap3A_275, %swap3A_276] {strides = array<i32>} : memref<64x768xf32, #tpu.memory_space<vmem>>, vector<1x16xf32>,
        %swap3A_278 = vector.shape_cast %swap3A_277 : vector<1x16xf32> to vector<16xf32>
        %swap3A_279 = vector.shape_cast %mul3A_274 : vector<16xf32> to vector<1x16xf32>
        tpu.vector_store %arg6[%swap3A_275, %swap3A_276], %swap3A_279 {strides = array<i32>} : memref<64x768xf32, #tpu.memory_space<vmem>>, vector<1x16xf32>,
        %get3A_280 = arith.index_cast %while3A_53 : i32 to index
        %get3A_281 = arith.constant 304 : index
        %get3A_282 = tpu.vector_load %arg6[%get3A_280, %get3A_281] {strides = array<i32>} : memref<64x768xf32, #tpu.memory_space<vmem>>, vector<1x16xf32>,
        %get3A_283 = vector.shape_cast %get3A_282 : vector<1x16xf32> to vector<16xf32>
        %mul3A_284 = arith.constant 8.000000e+00 : f32
        %mul3A_285 = vector.broadcast %mul3A_284 : f32 to vector<16xf32>
        %mul3A_286 = arith.mulf %get3A_283, %mul3A_285 : vector<16xf32>
        %swap3A_287 = arith.index_cast %while3A_53 : i32 to index
        %swap3A_288 = arith.constant 304 : index
        %swap3A_289 = tpu.vector_load %arg6[%swap3A_287, %swap3A_288] {strides = array<i32>} : memref<64x768xf32, #tpu.memory_space<vmem>>, vector<1x16xf32>,
        %swap3A_290 = vector.shape_cast %swap3A_289 : vector<1x16xf32> to vector<16xf32>
        %swap3A_291 = vector.shape_cast %mul3A_286 : vector<16xf32> to vector<1x16xf32>
        tpu.vector_store %arg6[%swap3A_287, %swap3A_288], %swap3A_291 {strides = array<i32>} : memref<64x768xf32, #tpu.memory_space<vmem>>, vector<1x16xf32>,
        %get3A_292 = arith.index_cast %while3A_53 : i32 to index
        %get3A_293 = arith.constant 320 : index
        %get3A_294 = tpu.vector_load %arg6[%get3A_292, %get3A_293] {strides = array<i32>} : memref<64x768xf32, #tpu.memory_space<vmem>>, vector<1x16xf32>,
        %get3A_295 = vector.shape_cast %get3A_294 : vector<1x16xf32> to vector<16xf32>
        %mul3A_296 = arith.constant 8.000000e+00 : f32
        %mul3A_297 = vector.broadcast %mul3A_296 : f32 to vector<16xf32>
        %mul3A_298 = arith.mulf %get3A_295, %mul3A_297 : vector<16xf32>
        %swap3A_299 = arith.index_cast %while3A_53 : i32 to index
        %swap3A_300 = arith.constant 320 : index
        %swap3A_301 = tpu.vector_load %arg6[%swap3A_299, %swap3A_300] {strides = array<i32>} : memref<64x768xf32, #tpu.memory_space<vmem>>, vector<1x16xf32>,
        %swap3A_302 = vector.shape_cast %swap3A_301 : vector<1x16xf32> to vector<16xf32>
        %swap3A_303 = vector.shape_cast %mul3A_298 : vector<16xf32> to vector<1x16xf32>
        tpu.vector_store %arg6[%swap3A_299, %swap3A_300], %swap3A_303 {strides = array<i32>} : memref<64x768xf32, #tpu.memory_space<vmem>>, vector<1x16xf32>,
        %get3A_304 = arith.index_cast %while3A_53 : i32 to index
        %get3A_305 = arith.constant 336 : index
        %get3A_306 = tpu.vector_load %arg6[%get3A_304, %get3A_305] {strides = array<i32>} : memref<64x768xf32, #tpu.memory_space<vmem>>, vector<1x16xf32>,
        %get3A_307 = vector.shape_cast %get3A_306 : vector<1x16xf32> to vector<16xf32>
        %mul3A_308 = arith.constant 8.000000e+00 : f32
        %mul3A_309 = vector.broadcast %mul3A_308 : f32 to vector<16xf32>
        %mul3A_310 = arith.mulf %get3A_307, %mul3A_309 : vector<16xf32>
        %swap3A_311 = arith.index_cast %while3A_53 : i32 to index
        %swap3A_312 = arith.constant 336 : index
        %swap3A_313 = tpu.vector_load %arg6[%swap3A_311, %swap3A_312] {strides = array<i32>} : memref<64x768xf32, #tpu.memory_space<vmem>>, vector<1x16xf32>,
        %swap3A_314 = vector.shape_cast %swap3A_313 : vector<1x16xf32> to vector<16xf32>
        %swap3A_315 = vector.shape_cast %mul3A_310 : vector<16xf32> to vector<1x16xf32>
        tpu.vector_store %arg6[%swap3A_311, %swap3A_312], %swap3A_315 {strides = array<i32>} : memref<64x768xf32, #tpu.memory_space<vmem>>, vector<1x16xf32>,
        %get3A_316 = arith.index_cast %while3A_53 : i32 to index
        %get3A_317 = arith.constant 352 : index
        %get3A_318 = tpu.vector_load %arg6[%get3A_316, %get3A_317] {strides = array<i32>} : memref<64x768xf32, #tpu.memory_space<vmem>>, vector<1x16xf32>,
        %get3A_319 = vector.shape_cast %get3A_318 : vector<1x16xf32> to vector<16xf32>
        %mul3A_320 = arith.constant 8.000000e+00 : f32
        %mul3A_321 = vector.broadcast %mul3A_320 : f32 to vector<16xf32>
        %mul3A_322 = arith.mulf %get3A_319, %mul3A_321 : vector<16xf32>
        %swap3A_323 = arith.index_cast %while3A_53 : i32 to index
        %swap3A_324 = arith.constant 352 : index
        %swap3A_325 = tpu.vector_load %arg6[%swap3A_323, %swap3A_324] {strides = array<i32>} : memref<64x768xf32, #tpu.memory_space<vmem>>, vector<1x16xf32>,
        %swap3A_326 = vector.shape_cast %swap3A_325 : vector<1x16xf32> to vector<16xf32>
        %swap3A_327 = vector.shape_cast %mul3A_322 : vector<16xf32> to vector<1x16xf32>
        tpu.vector_store %arg6[%swap3A_323, %swap3A_324], %swap3A_327 {strides = array<i32>} : memref<64x768xf32, #tpu.memory_space<vmem>>, vector<1x16xf32>,
        %get3A_328 = arith.index_cast %while3A_53 : i32 to index
        %get3A_329 = arith.constant 368 : index
        %get3A_330 = tpu.vector_load %arg6[%get3A_328, %get3A_329] {strides = array<i32>} : memref<64x768xf32, #tpu.memory_space<vmem>>, vector<1x16xf32>,
        %get3A_331 = vector.shape_cast %get3A_330 : vector<1x16xf32> to vector<16xf32>
        %mul3A_332 = arith.constant 8.000000e+00 : f32
        %mul3A_333 = vector.broadcast %mul3A_332 : f32 to vector<16xf32>
        %mul3A_334 = arith.mulf %get3A_331, %mul3A_333 : vector<16xf32>
        %swap3A_335 = arith.index_cast %while3A_53 : i32 to index
        %swap3A_336 = arith.constant 368 : index
        %swap3A_337 = tpu.vector_load %arg6[%swap3A_335, %swap3A_336] {strides = array<i32>} : memref<64x768xf32, #tpu.memory_space<vmem>>, vector<1x16xf32>,
        %swap3A_338 = vector.shape_cast %swap3A_337 : vector<1x16xf32> to vector<16xf32>
        %swap3A_339 = vector.shape_cast %mul3A_334 : vector<16xf32> to vector<1x16xf32>
        tpu.vector_store %arg6[%swap3A_335, %swap3A_336], %swap3A_339 {strides = array<i32>} : memref<64x768xf32, #tpu.memory_space<vmem>>, vector<1x16xf32>,
        %get3A_340 = arith.index_cast %while3A_53 : i32 to index
        %get3A_341 = arith.constant 384 : index
        %get3A_342 = tpu.vector_load %arg6[%get3A_340, %get3A_341] {strides = array<i32>} : memref<64x768xf32, #tpu.memory_space<vmem>>, vector<1x16xf32>,
        %get3A_343 = vector.shape_cast %get3A_342 : vector<1x16xf32> to vector<16xf32>
        %mul3A_344 = arith.constant 8.000000e+00 : f32
        %mul3A_345 = vector.broadcast %mul3A_344 : f32 to vector<16xf32>
        %mul3A_346 = arith.mulf %get3A_343, %mul3A_345 : vector<16xf32>
        %swap3A_347 = arith.index_cast %while3A_53 : i32 to index
        %swap3A_348 = arith.constant 384 : index
        %swap3A_349 = tpu.vector_load %arg6[%swap3A_347, %swap3A_348] {strides = array<i32>} : memref<64x768xf32, #tpu.memory_space<vmem>>, vector<1x16xf32>,
        %swap3A_350 = vector.shape_cast %swap3A_349 : vector<1x16xf32> to vector<16xf32>
        %swap3A_351 = vector.shape_cast %mul3A_346 : vector<16xf32> to vector<1x16xf32>
        tpu.vector_store %arg6[%swap3A_347, %swap3A_348], %swap3A_351 {strides = array<i32>} : memref<64x768xf32, #tpu.memory_space<vmem>>, vector<1x16xf32>,
        %get3A_352 = arith.index_cast %while3A_53 : i32 to index
        %get3A_353 = arith.constant 400 : index
        %get3A_354 = tpu.vector_load %arg6[%get3A_352, %get3A_353] {strides = array<i32>} : memref<64x768xf32, #tpu.memory_space<vmem>>, vector<1x16xf32>,
        %get3A_355 = vector.shape_cast %get3A_354 : vector<1x16xf32> to vector<16xf32>
        %mul3A_356 = arith.constant 8.000000e+00 : f32
        %mul3A_357 = vector.broadcast %mul3A_356 : f32 to vector<16xf32>
        %mul3A_358 = arith.mulf %get3A_355, %mul3A_357 : vector<16xf32>
        %swap3A_359 = arith.index_cast %while3A_53 : i32 to index
        %swap3A_360 = arith.constant 400 : index
        %swap3A_361 = tpu.vector_load %arg6[%swap3A_359, %swap3A_360] {strides = array<i32>} : memref<64x768xf32, #tpu.memory_space<vmem>>, vector<1x16xf32>,
        %swap3A_362 = vector.shape_cast %swap3A_361 : vector<1x16xf32> to vector<16xf32>
        %swap3A_363 = vector.shape_cast %mul3A_358 : vector<16xf32> to vector<1x16xf32>
        tpu.vector_store %arg6[%swap3A_359, %swap3A_360], %swap3A_363 {strides = array<i32>} : memref<64x768xf32, #tpu.memory_space<vmem>>, vector<1x16xf32>,
        %get3A_364 = arith.index_cast %while3A_53 : i32 to index
        %get3A_365 = arith.constant 416 : index
        %get3A_366 = tpu.vector_load %arg6[%get3A_364, %get3A_365] {strides = array<i32>} : memref<64x768xf32, #tpu.memory_space<vmem>>, vector<1x16xf32>,
        %get3A_367 = vector.shape_cast %get3A_366 : vector<1x16xf32> to vector<16xf32>
        %mul3A_368 = arith.constant 8.000000e+00 : f32
        %mul3A_369 = vector.broadcast %mul3A_368 : f32 to vector<16xf32>
        %mul3A_370 = arith.mulf %get3A_367, %mul3A_369 : vector<16xf32>
        %swap3A_371 = arith.index_cast %while3A_53 : i32 to index
        %swap3A_372 = arith.constant 416 : index
        %swap3A_373 = tpu.vector_load %arg6[%swap3A_371, %swap3A_372] {strides = array<i32>} : memref<64x768xf32, #tpu.memory_space<vmem>>, vector<1x16xf32>,
        %swap3A_374 = vector.shape_cast %swap3A_373 : vector<1x16xf32> to vector<16xf32>
        %swap3A_375 = vector.shape_cast %mul3A_370 : vector<16xf32> to vector<1x16xf32>
        tpu.vector_store %arg6[%swap3A_371, %swap3A_372], %swap3A_375 {strides = array<i32>} : memref<64x768xf32, #tpu.memory_space<vmem>>, vector<1x16xf32>,
        %get3A_376 = arith.index_cast %while3A_53 : i32 to index
        %get3A_377 = arith.constant 432 : index
        %get3A_378 = tpu.vector_load %arg6[%get3A_376, %get3A_377] {strides = array<i32>} : memref<64x768xf32, #tpu.memory_space<vmem>>, vector<1x16xf32>,
        %get3A_379 = vector.shape_cast %get3A_378 : vector<1x16xf32> to vector<16xf32>
        %mul3A_380 = arith.constant 8.000000e+00 : f32
        %mul3A_381 = vector.broadcast %mul3A_380 : f32 to vector<16xf32>
        %mul3A_382 = arith.mulf %get3A_379, %mul3A_381 : vector<16xf32>
        %swap3A_383 = arith.index_cast %while3A_53 : i32 to index
        %swap3A_384 = arith.constant 432 : index
        %swap3A_385 = tpu.vector_load %arg6[%swap3A_383, %swap3A_384] {strides = array<i32>} : memref<64x768xf32, #tpu.memory_space<vmem>>, vector<1x16xf32>,
        %swap3A_386 = vector.shape_cast %swap3A_385 : vector<1x16xf32> to vector<16xf32>
        %swap3A_387 = vector.shape_cast %mul3A_382 : vector<16xf32> to vector<1x16xf32>
        tpu.vector_store %arg6[%swap3A_383, %swap3A_384], %swap3A_387 {strides = array<i32>} : memref<64x768xf32, #tpu.memory_space<vmem>>, vector<1x16xf32>,
        %get3A_388 = arith.index_cast %while3A_53 : i32 to index
        %get3A_389 = arith.constant 448 : index
        %get3A_390 = tpu.vector_load %arg6[%get3A_388, %get3A_389] {strides = array<i32>} : memref<64x768xf32, #tpu.memory_space<vmem>>, vector<1x16xf32>,
        %get3A_391 = vector.shape_cast %get3A_390 : vector<1x16xf32> to vector<16xf32>
        %mul3A_392 = arith.constant 8.000000e+00 : f32
        %mul3A_393 = vector.broadcast %mul3A_392 : f32 to vector<16xf32>
        %mul3A_394 = arith.mulf %get3A_391, %mul3A_393 : vector<16xf32>
        %swap3A_395 = arith.index_cast %while3A_53 : i32 to index
        %swap3A_396 = arith.constant 448 : index
        %swap3A_397 = tpu.vector_load %arg6[%swap3A_395, %swap3A_396] {strides = array<i32>} : memref<64x768xf32, #tpu.memory_space<vmem>>, vector<1x16xf32>,
        %swap3A_398 = vector.shape_cast %swap3A_397 : vector<1x16xf32> to vector<16xf32>
        %swap3A_399 = vector.shape_cast %mul3A_394 : vector<16xf32> to vector<1x16xf32>
        tpu.vector_store %arg6[%swap3A_395, %swap3A_396], %swap3A_399 {strides = array<i32>} : memref<64x768xf32, #tpu.memory_space<vmem>>, vector<1x16xf32>,
        %get3A_400 = arith.index_cast %while3A_53 : i32 to index
        %get3A_401 = arith.constant 464 : index
        %get3A_402 = tpu.vector_load %arg6[%get3A_400, %get3A_401] {strides = array<i32>} : memref<64x768xf32, #tpu.memory_space<vmem>>, vector<1x16xf32>,
        %get3A_403 = vector.shape_cast %get3A_402 : vector<1x16xf32> to vector<16xf32>
        %mul3A_404 = arith.constant 8.000000e+00 : f32
        %mul3A_405 = vector.broadcast %mul3A_404 : f32 to vector<16xf32>
        %mul3A_406 = arith.mulf %get3A_403, %mul3A_405 : vector<16xf32>
        %swap3A_407 = arith.index_cast %while3A_53 : i32 to index
        %swap3A_408 = arith.constant 464 : index
        %swap3A_409 = tpu.vector_load %arg6[%swap3A_407, %swap3A_408] {strides = array<i32>} : memref<64x768xf32, #tpu.memory_space<vmem>>, vector<1x16xf32>,
        %swap3A_410 = vector.shape_cast %swap3A_409 : vector<1x16xf32> to vector<16xf32>
        %swap3A_411 = vector.shape_cast %mul3A_406 : vector<16xf32> to vector<1x16xf32>
        tpu.vector_store %arg6[%swap3A_407, %swap3A_408], %swap3A_411 {strides = array<i32>} : memref<64x768xf32, #tpu.memory_space<vmem>>, vector<1x16xf32>,
        %get3A_412 = arith.index_cast %while3A_53 : i32 to index
        %get3A_413 = arith.constant 480 : index
        %get3A_414 = tpu.vector_load %arg6[%get3A_412, %get3A_413] {strides = array<i32>} : memref<64x768xf32, #tpu.memory_space<vmem>>, vector<1x16xf32>,
        %get3A_415 = vector.shape_cast %get3A_414 : vector<1x16xf32> to vector<16xf32>
        %mul3A_416 = arith.constant 8.000000e+00 : f32
        %mul3A_417 = vector.broadcast %mul3A_416 : f32 to vector<16xf32>
        %mul3A_418 = arith.mulf %get3A_415, %mul3A_417 : vector<16xf32>
        %swap3A_419 = arith.index_cast %while3A_53 : i32 to index
        %swap3A_420 = arith.constant 480 : index
        %swap3A_421 = tpu.vector_load %arg6[%swap3A_419, %swap3A_420] {strides = array<i32>} : memref<64x768xf32, #tpu.memory_space<vmem>>, vector<1x16xf32>,
        %swap3A_422 = vector.shape_cast %swap3A_421 : vector<1x16xf32> to vector<16xf32>
        %swap3A_423 = vector.shape_cast %mul3A_418 : vector<16xf32> to vector<1x16xf32>
        tpu.vector_store %arg6[%swap3A_419, %swap3A_420], %swap3A_423 {strides = array<i32>} : memref<64x768xf32, #tpu.memory_space<vmem>>, vector<1x16xf32>,
        %get3A_424 = arith.index_cast %while3A_53 : i32 to index
        %get3A_425 = arith.constant 496 : index
        %get3A_426 = tpu.vector_load %arg6[%get3A_424, %get3A_425] {strides = array<i32>} : memref<64x768xf32, #tpu.memory_space<vmem>>, vector<1x16xf32>,
        %get3A_427 = vector.shape_cast %get3A_426 : vector<1x16xf32> to vector<16xf32>
        %mul3A_428 = arith.constant 8.000000e+00 : f32
        %mul3A_429 = vector.broadcast %mul3A_428 : f32 to vector<16xf32>
        %mul3A_430 = arith.mulf %get3A_427, %mul3A_429 : vector<16xf32>
        %swap3A_431 = arith.index_cast %while3A_53 : i32 to index
        %swap3A_432 = arith.constant 496 : index
        %swap3A_433 = tpu.vector_load %arg6[%swap3A_431, %swap3A_432] {strides = array<i32>} : memref<64x768xf32, #tpu.memory_space<vmem>>, vector<1x16xf32>,
        %swap3A_434 = vector.shape_cast %swap3A_433 : vector<1x16xf32> to vector<16xf32>
        %swap3A_435 = vector.shape_cast %mul3A_430 : vector<16xf32> to vector<1x16xf32>
        tpu.vector_store %arg6[%swap3A_431, %swap3A_432], %swap3A_435 {strides = array<i32>} : memref<64x768xf32, #tpu.memory_space<vmem>>, vector<1x16xf32>,
        %get3A_436 = arith.index_cast %while3A_53 : i32 to index
        %get3A_437 = arith.constant 512 : index
        %get3A_438 = tpu.vector_load %arg6[%get3A_436, %get3A_437] {strides = array<i32>} : memref<64x768xf32, #tpu.memory_space<vmem>>, vector<1x16xf32>,
        %get3A_439 = vector.shape_cast %get3A_438 : vector<1x16xf32> to vector<16xf32>
        %mul3A_440 = arith.constant 8.000000e+00 : f32
        %mul3A_441 = vector.broadcast %mul3A_440 : f32 to vector<16xf32>
        %mul3A_442 = arith.mulf %get3A_439, %mul3A_441 : vector<16xf32>
        %swap3A_443 = arith.index_cast %while3A_53 : i32 to index
        %swap3A_444 = arith.constant 512 : index
        %swap3A_445 = tpu.vector_load %arg6[%swap3A_443, %swap3A_444] {strides = array<i32>} : memref<64x768xf32, #tpu.memory_space<vmem>>, vector<1x16xf32>,
        %swap3A_446 = vector.shape_cast %swap3A_445 : vector<1x16xf32> to vector<16xf32>
        %swap3A_447 = vector.shape_cast %mul3A_442 : vector<16xf32> to vector<1x16xf32>
        tpu.vector_store %arg6[%swap3A_443, %swap3A_444], %swap3A_447 {strides = array<i32>} : memref<64x768xf32, #tpu.memory_space<vmem>>, vector<1x16xf32>,
        %get3A_448 = arith.index_cast %while3A_53 : i32 to index
        %get3A_449 = arith.constant 528 : index
        %get3A_450 = tpu.vector_load %arg6[%get3A_448, %get3A_449] {strides = array<i32>} : memref<64x768xf32, #tpu.memory_space<vmem>>, vector<1x16xf32>,
        %get3A_451 = vector.shape_cast %get3A_450 : vector<1x16xf32> to vector<16xf32>
        %mul3A_452 = arith.constant 8.000000e+00 : f32
        %mul3A_453 = vector.broadcast %mul3A_452 : f32 to vector<16xf32>
        %mul3A_454 = arith.mulf %get3A_451, %mul3A_453 : vector<16xf32>
        %swap3A_455 = arith.index_cast %while3A_53 : i32 to index
        %swap3A_456 = arith.constant 528 : index
        %swap3A_457 = tpu.vector_load %arg6[%swap3A_455, %swap3A_456] {strides = array<i32>} : memref<64x768xf32, #tpu.memory_space<vmem>>, vector<1x16xf32>,
        %swap3A_458 = vector.shape_cast %swap3A_457 : vector<1x16xf32> to vector<16xf32>
        %swap3A_459 = vector.shape_cast %mul3A_454 : vector<16xf32> to vector<1x16xf32>
        tpu.vector_store %arg6[%swap3A_455, %swap3A_456], %swap3A_459 {strides = array<i32>} : memref<64x768xf32, #tpu.memory_space<vmem>>, vector<1x16xf32>,
        %get3A_460 = arith.index_cast %while3A_53 : i32 to index
        %get3A_461 = arith.constant 544 : index
        %get3A_462 = tpu.vector_load %arg6[%get3A_460, %get3A_461] {strides = array<i32>} : memref<64x768xf32, #tpu.memory_space<vmem>>, vector<1x16xf32>,
        %get3A_463 = vector.shape_cast %get3A_462 : vector<1x16xf32> to vector<16xf32>
        %mul3A_464 = arith.constant 8.000000e+00 : f32
        %mul3A_465 = vector.broadcast %mul3A_464 : f32 to vector<16xf32>
        %mul3A_466 = arith.mulf %get3A_463, %mul3A_465 : vector<16xf32>
        %swap3A_467 = arith.index_cast %while3A_53 : i32 to index
        %swap3A_468 = arith.constant 544 : index
        %swap3A_469 = tpu.vector_load %arg6[%swap3A_467, %swap3A_468] {strides = array<i32>} : memref<64x768xf32, #tpu.memory_space<vmem>>, vector<1x16xf32>,
        %swap3A_470 = vector.shape_cast %swap3A_469 : vector<1x16xf32> to vector<16xf32>
        %swap3A_471 = vector.shape_cast %mul3A_466 : vector<16xf32> to vector<1x16xf32>
        tpu.vector_store %arg6[%swap3A_467, %swap3A_468], %swap3A_471 {strides = array<i32>} : memref<64x768xf32, #tpu.memory_space<vmem>>, vector<1x16xf32>,
        %get3A_472 = arith.index_cast %while3A_53 : i32 to index
        %get3A_473 = arith.constant 560 : index
        %get3A_474 = tpu.vector_load %arg6[%get3A_472, %get3A_473] {strides = array<i32>} : memref<64x768xf32, #tpu.memory_space<vmem>>, vector<1x16xf32>,
        %get3A_475 = vector.shape_cast %get3A_474 : vector<1x16xf32> to vector<16xf32>
        %mul3A_476 = arith.constant 8.000000e+00 : f32
        %mul3A_477 = vector.broadcast %mul3A_476 : f32 to vector<16xf32>
        %mul3A_478 = arith.mulf %get3A_475, %mul3A_477 : vector<16xf32>
        %swap3A_479 = arith.index_cast %while3A_53 : i32 to index
        %swap3A_480 = arith.constant 560 : index
        %swap3A_481 = tpu.vector_load %arg6[%swap3A_479, %swap3A_480] {strides = array<i32>} : memref<64x768xf32, #tpu.memory_space<vmem>>, vector<1x16xf32>,
        %swap3A_482 = vector.shape_cast %swap3A_481 : vector<1x16xf32> to vector<16xf32>
        %swap3A_483 = vector.shape_cast %mul3A_478 : vector<16xf32> to vector<1x16xf32>
        tpu.vector_store %arg6[%swap3A_479, %swap3A_480], %swap3A_483 {strides = array<i32>} : memref<64x768xf32, #tpu.memory_space<vmem>>, vector<1x16xf32>,
        %get3A_484 = arith.index_cast %while3A_53 : i32 to index
        %get3A_485 = arith.constant 576 : index
        %get3A_486 = tpu.vector_load %arg6[%get3A_484, %get3A_485] {strides = array<i32>} : memref<64x768xf32, #tpu.memory_space<vmem>>, vector<1x16xf32>,
        %get3A_487 = vector.shape_cast %get3A_486 : vector<1x16xf32> to vector<16xf32>
        %mul3A_488 = arith.constant 8.000000e+00 : f32
        %mul3A_489 = vector.broadcast %mul3A_488 : f32 to vector<16xf32>
        %mul3A_490 = arith.mulf %get3A_487, %mul3A_489 : vector<16xf32>
        %swap3A_491 = arith.index_cast %while3A_53 : i32 to index
        %swap3A_492 = arith.constant 576 : index
        %swap3A_493 = tpu.vector_load %arg6[%swap3A_491, %swap3A_492] {strides = array<i32>} : memref<64x768xf32, #tpu.memory_space<vmem>>, vector<1x16xf32>,
        %swap3A_494 = vector.shape_cast %swap3A_493 : vector<1x16xf32> to vector<16xf32>
        %swap3A_495 = vector.shape_cast %mul3A_490 : vector<16xf32> to vector<1x16xf32>
        tpu.vector_store %arg6[%swap3A_491, %swap3A_492], %swap3A_495 {strides = array<i32>} : memref<64x768xf32, #tpu.memory_space<vmem>>, vector<1x16xf32>,
        %get3A_496 = arith.index_cast %while3A_53 : i32 to index
        %get3A_497 = arith.constant 592 : index
        %get3A_498 = tpu.vector_load %arg6[%get3A_496, %get3A_497] {strides = array<i32>} : memref<64x768xf32, #tpu.memory_space<vmem>>, vector<1x16xf32>,
        %get3A_499 = vector.shape_cast %get3A_498 : vector<1x16xf32> to vector<16xf32>
        %mul3A_500 = arith.constant 8.000000e+00 : f32
        %mul3A_501 = vector.broadcast %mul3A_500 : f32 to vector<16xf32>
        %mul3A_502 = arith.mulf %get3A_499, %mul3A_501 : vector<16xf32>
        %swap3A_503 = arith.index_cast %while3A_53 : i32 to index
        %swap3A_504 = arith.constant 592 : index
        %swap3A_505 = tpu.vector_load %arg6[%swap3A_503, %swap3A_504] {strides = array<i32>} : memref<64x768xf32, #tpu.memory_space<vmem>>, vector<1x16xf32>,
        %swap3A_506 = vector.shape_cast %swap3A_505 : vector<1x16xf32> to vector<16xf32>
        %swap3A_507 = vector.shape_cast %mul3A_502 : vector<16xf32> to vector<1x16xf32>
        tpu.vector_store %arg6[%swap3A_503, %swap3A_504], %swap3A_507 {strides = array<i32>} : memref<64x768xf32, #tpu.memory_space<vmem>>, vector<1x16xf32>,
        %get3A_508 = arith.index_cast %while3A_53 : i32 to index
        %get3A_509 = arith.constant 608 : index
        %get3A_510 = tpu.vector_load %arg6[%get3A_508, %get3A_509] {strides = array<i32>} : memref<64x768xf32, #tpu.memory_space<vmem>>, vector<1x16xf32>,
        %get3A_511 = vector.shape_cast %get3A_510 : vector<1x16xf32> to vector<16xf32>
        %mul3A_512 = arith.constant 8.000000e+00 : f32
        %mul3A_513 = vector.broadcast %mul3A_512 : f32 to vector<16xf32>
        %mul3A_514 = arith.mulf %get3A_511, %mul3A_513 : vector<16xf32>
        %swap3A_515 = arith.index_cast %while3A_53 : i32 to index
        %swap3A_516 = arith.constant 608 : index
        %swap3A_517 = tpu.vector_load %arg6[%swap3A_515, %swap3A_516] {strides = array<i32>} : memref<64x768xf32, #tpu.memory_space<vmem>>, vector<1x16xf32>,
        %swap3A_518 = vector.shape_cast %swap3A_517 : vector<1x16xf32> to vector<16xf32>
        %swap3A_519 = vector.shape_cast %mul3A_514 : vector<16xf32> to vector<1x16xf32>
        tpu.vector_store %arg6[%swap3A_515, %swap3A_516], %swap3A_519 {strides = array<i32>} : memref<64x768xf32, #tpu.memory_space<vmem>>, vector<1x16xf32>,
        %get3A_520 = arith.index_cast %while3A_53 : i32 to index
        %get3A_521 = arith.constant 624 : index
        %get3A_522 = tpu.vector_load %arg6[%get3A_520, %get3A_521] {strides = array<i32>} : memref<64x768xf32, #tpu.memory_space<vmem>>, vector<1x16xf32>,
        %get3A_523 = vector.shape_cast %get3A_522 : vector<1x16xf32> to vector<16xf32>
        %mul3A_524 = arith.constant 8.000000e+00 : f32
        %mul3A_525 = vector.broadcast %mul3A_524 : f32 to vector<16xf32>
        %mul3A_526 = arith.mulf %get3A_523, %mul3A_525 : vector<16xf32>
        %swap3A_527 = arith.index_cast %while3A_53 : i32 to index
        %swap3A_528 = arith.constant 624 : index
        %swap3A_529 = tpu.vector_load %arg6[%swap3A_527, %swap3A_528] {strides = array<i32>} : memref<64x768xf32, #tpu.memory_space<vmem>>, vector<1x16xf32>,
        %swap3A_530 = vector.shape_cast %swap3A_529 : vector<1x16xf32> to vector<16xf32>
        %swap3A_531 = vector.shape_cast %mul3A_526 : vector<16xf32> to vector<1x16xf32>
        tpu.vector_store %arg6[%swap3A_527, %swap3A_528], %swap3A_531 {strides = array<i32>} : memref<64x768xf32, #tpu.memory_space<vmem>>, vector<1x16xf32>,
        %get3A_532 = arith.index_cast %while3A_53 : i32 to index
        %get3A_533 = arith.constant 640 : index
        %get3A_534 = tpu.vector_load %arg6[%get3A_532, %get3A_533] {strides = array<i32>} : memref<64x768xf32, #tpu.memory_space<vmem>>, vector<1x16xf32>,
        %get3A_535 = vector.shape_cast %get3A_534 : vector<1x16xf32> to vector<16xf32>
        %mul3A_536 = arith.constant 8.000000e+00 : f32
        %mul3A_537 = vector.broadcast %mul3A_536 : f32 to vector<16xf32>
        %mul3A_538 = arith.mulf %get3A_535, %mul3A_537 : vector<16xf32>
        %swap3A_539 = arith.index_cast %while3A_53 : i32 to index
        %swap3A_540 = arith.constant 640 : index
        %swap3A_541 = tpu.vector_load %arg6[%swap3A_539, %swap3A_540] {strides = array<i32>} : memref<64x768xf32, #tpu.memory_space<vmem>>, vector<1x16xf32>,
        %swap3A_542 = vector.shape_cast %swap3A_541 : vector<1x16xf32> to vector<16xf32>
        %swap3A_543 = vector.shape_cast %mul3A_538 : vector<16xf32> to vector<1x16xf32>
        tpu.vector_store %arg6[%swap3A_539, %swap3A_540], %swap3A_543 {strides = array<i32>} : memref<64x768xf32, #tpu.memory_space<vmem>>, vector<1x16xf32>,
        %get3A_544 = arith.index_cast %while3A_53 : i32 to index
        %get3A_545 = arith.constant 656 : index
        %get3A_546 = tpu.vector_load %arg6[%get3A_544, %get3A_545] {strides = array<i32>} : memref<64x768xf32, #tpu.memory_space<vmem>>, vector<1x16xf32>,
        %get3A_547 = vector.shape_cast %get3A_546 : vector<1x16xf32> to vector<16xf32>
        %mul3A_548 = arith.constant 8.000000e+00 : f32
        %mul3A_549 = vector.broadcast %mul3A_548 : f32 to vector<16xf32>
        %mul3A_550 = arith.mulf %get3A_547, %mul3A_549 : vector<16xf32>
        %swap3A_551 = arith.index_cast %while3A_53 : i32 to index
        %swap3A_552 = arith.constant 656 : index
        %swap3A_553 = tpu.vector_load %arg6[%swap3A_551, %swap3A_552] {strides = array<i32>} : memref<64x768xf32, #tpu.memory_space<vmem>>, vector<1x16xf32>,
        %swap3A_554 = vector.shape_cast %swap3A_553 : vector<1x16xf32> to vector<16xf32>
        %swap3A_555 = vector.shape_cast %mul3A_550 : vector<16xf32> to vector<1x16xf32>
        tpu.vector_store %arg6[%swap3A_551, %swap3A_552], %swap3A_555 {strides = array<i32>} : memref<64x768xf32, #tpu.memory_space<vmem>>, vector<1x16xf32>,
        %get3A_556 = arith.index_cast %while3A_53 : i32 to index
        %get3A_557 = arith.constant 672 : index
        %get3A_558 = tpu.vector_load %arg6[%get3A_556, %get3A_557] {strides = array<i32>} : memref<64x768xf32, #tpu.memory_space<vmem>>, vector<1x16xf32>,
        %get3A_559 = vector.shape_cast %get3A_558 : vector<1x16xf32> to vector<16xf32>
        %mul3A_560 = arith.constant 8.000000e+00 : f32
        %mul3A_561 = vector.broadcast %mul3A_560 : f32 to vector<16xf32>
        %mul3A_562 = arith.mulf %get3A_559, %mul3A_561 : vector<16xf32>
        %swap3A_563 = arith.index_cast %while3A_53 : i32 to index
        %swap3A_564 = arith.constant 672 : index
        %swap3A_565 = tpu.vector_load %arg6[%swap3A_563, %swap3A_564] {strides = array<i32>} : memref<64x768xf32, #tpu.memory_space<vmem>>, vector<1x16xf32>,
        %swap3A_566 = vector.shape_cast %swap3A_565 : vector<1x16xf32> to vector<16xf32>
        %swap3A_567 = vector.shape_cast %mul3A_562 : vector<16xf32> to vector<1x16xf32>
        tpu.vector_store %arg6[%swap3A_563, %swap3A_564], %swap3A_567 {strides = array<i32>} : memref<64x768xf32, #tpu.memory_space<vmem>>, vector<1x16xf32>,
        %get3A_568 = arith.index_cast %while3A_53 : i32 to index
        %get3A_569 = arith.constant 688 : index
        %get3A_570 = tpu.vector_load %arg6[%get3A_568, %get3A_569] {strides = array<i32>} : memref<64x768xf32, #tpu.memory_space<vmem>>, vector<1x16xf32>,
        %get3A_571 = vector.shape_cast %get3A_570 : vector<1x16xf32> to vector<16xf32>
        %mul3A_572 = arith.constant 8.000000e+00 : f32
        %mul3A_573 = vector.broadcast %mul3A_572 : f32 to vector<16xf32>
        %mul3A_574 = arith.mulf %get3A_571, %mul3A_573 : vector<16xf32>
        %swap3A_575 = arith.index_cast %while3A_53 : i32 to index
        %swap3A_576 = arith.constant 688 : index
        %swap3A_577 = tpu.vector_load %arg6[%swap3A_575, %swap3A_576] {strides = array<i32>} : memref<64x768xf32, #tpu.memory_space<vmem>>, vector<1x16xf32>,
        %swap3A_578 = vector.shape_cast %swap3A_577 : vector<1x16xf32> to vector<16xf32>
        %swap3A_579 = vector.shape_cast %mul3A_574 : vector<16xf32> to vector<1x16xf32>
        tpu.vector_store %arg6[%swap3A_575, %swap3A_576], %swap3A_579 {strides = array<i32>} : memref<64x768xf32, #tpu.memory_space<vmem>>, vector<1x16xf32>,
        %get3A_580 = arith.index_cast %while3A_53 : i32 to index
        %get3A_581 = arith.constant 704 : index
        %get3A_582 = tpu.vector_load %arg6[%get3A_580, %get3A_581] {strides = array<i32>} : memref<64x768xf32, #tpu.memory_space<vmem>>, vector<1x16xf32>,
        %get3A_583 = vector.shape_cast %get3A_582 : vector<1x16xf32> to vector<16xf32>
        %mul3A_584 = arith.constant 8.000000e+00 : f32
        %mul3A_585 = vector.broadcast %mul3A_584 : f32 to vector<16xf32>
        %mul3A_586 = arith.mulf %get3A_583, %mul3A_585 : vector<16xf32>
        %swap3A_587 = arith.index_cast %while3A_53 : i32 to index
        %swap3A_588 = arith.constant 704 : index
        %swap3A_589 = tpu.vector_load %arg6[%swap3A_587, %swap3A_588] {strides = array<i32>} : memref<64x768xf32, #tpu.memory_space<vmem>>, vector<1x16xf32>,
        %swap3A_590 = vector.shape_cast %swap3A_589 : vector<1x16xf32> to vector<16xf32>
        %swap3A_591 = vector.shape_cast %mul3A_586 : vector<16xf32> to vector<1x16xf32>
        tpu.vector_store %arg6[%swap3A_587, %swap3A_588], %swap3A_591 {strides = array<i32>} : memref<64x768xf32, #tpu.memory_space<vmem>>, vector<1x16xf32>,
        %get3A_592 = arith.index_cast %while3A_53 : i32 to index
        %get3A_593 = arith.constant 720 : index
        %get3A_594 = tpu.vector_load %arg6[%get3A_592, %get3A_593] {strides = array<i32>} : memref<64x768xf32, #tpu.memory_space<vmem>>, vector<1x16xf32>,
        %get3A_595 = vector.shape_cast %get3A_594 : vector<1x16xf32> to vector<16xf32>
        %mul3A_596 = arith.constant 8.000000e+00 : f32
        %mul3A_597 = vector.broadcast %mul3A_596 : f32 to vector<16xf32>
        %mul3A_598 = arith.mulf %get3A_595, %mul3A_597 : vector<16xf32>
        %swap3A_599 = arith.index_cast %while3A_53 : i32 to index
        %swap3A_600 = arith.constant 720 : index
        %swap3A_601 = tpu.vector_load %arg6[%swap3A_599, %swap3A_600] {strides = array<i32>} : memref<64x768xf32, #tpu.memory_space<vmem>>, vector<1x16xf32>,
        %swap3A_602 = vector.shape_cast %swap3A_601 : vector<1x16xf32> to vector<16xf32>
        %swap3A_603 = vector.shape_cast %mul3A_598 : vector<16xf32> to vector<1x16xf32>
        tpu.vector_store %arg6[%swap3A_599, %swap3A_600], %swap3A_603 {strides = array<i32>} : memref<64x768xf32, #tpu.memory_space<vmem>>, vector<1x16xf32>,
        %get3A_604 = arith.index_cast %while3A_53 : i32 to index
        %get3A_605 = arith.constant 736 : index
        %get3A_606 = tpu.vector_load %arg6[%get3A_604, %get3A_605] {strides = array<i32>} : memref<64x768xf32, #tpu.memory_space<vmem>>, vector<1x16xf32>,
        %get3A_607 = vector.shape_cast %get3A_606 : vector<1x16xf32> to vector<16xf32>
        %mul3A_608 = arith.constant 8.000000e+00 : f32
        %mul3A_609 = vector.broadcast %mul3A_608 : f32 to vector<16xf32>
        %mul3A_610 = arith.mulf %get3A_607, %mul3A_609 : vector<16xf32>
        %swap3A_611 = arith.index_cast %while3A_53 : i32 to index
        %swap3A_612 = arith.constant 736 : index
        %swap3A_613 = tpu.vector_load %arg6[%swap3A_611, %swap3A_612] {strides = array<i32>} : memref<64x768xf32, #tpu.memory_space<vmem>>, vector<1x16xf32>,
        %swap3A_614 = vector.shape_cast %swap3A_613 : vector<1x16xf32> to vector<16xf32>
        %swap3A_615 = vector.shape_cast %mul3A_610 : vector<16xf32> to vector<1x16xf32>
        tpu.vector_store %arg6[%swap3A_611, %swap3A_612], %swap3A_615 {strides = array<i32>} : memref<64x768xf32, #tpu.memory_space<vmem>>, vector<1x16xf32>,
        %get3A_616 = arith.index_cast %while3A_53 : i32 to index
        %get3A_617 = arith.constant 752 : index
        %get3A_618 = tpu.vector_load %arg6[%get3A_616, %get3A_617] {strides = array<i32>} : memref<64x768xf32, #tpu.memory_space<vmem>>, vector<1x16xf32>,
        %get3A_619 = vector.shape_cast %get3A_618 : vector<1x16xf32> to vector<16xf32>
        %mul3A_620 = arith.constant 8.000000e+00 : f32
        %mul3A_621 = vector.broadcast %mul3A_620 : f32 to vector<16xf32>
        %mul3A_622 = arith.mulf %get3A_619, %mul3A_621 : vector<16xf32>
        %swap3A_623 = arith.index_cast %while3A_53 : i32 to index
        %swap3A_624 = arith.constant 752 : index
        %swap3A_625 = tpu.vector_load %arg6[%swap3A_623, %swap3A_624] {strides = array<i32>} : memref<64x768xf32, #tpu.memory_space<vmem>>, vector<1x16xf32>,
        %swap3A_626 = vector.shape_cast %swap3A_625 : vector<1x16xf32> to vector<16xf32>
        %swap3A_627 = vector.shape_cast %mul3A_622 : vector<16xf32> to vector<1x16xf32>
        tpu.vector_store %arg6[%swap3A_623, %swap3A_624], %swap3A_627 {strides = array<i32>} : memref<64x768xf32, #tpu.memory_space<vmem>>, vector<1x16xf32>,
      }
      %mul3A_41 = arith.constant 16 : i32
      %mul3A_42 = arith.muli %scan3A_15, %mul3A_41 : i32
      %mul3A_43 = arith.constant 16 : i32
      %mul3A_44 = arith.muli %scan3A_15, %mul3A_43 : i32
      %add3A_45 = arith.addi %mul3A_2, %mul3A_44 : i32
      %dma_start3A = arith.constant 0 : i32
      %dma_start3A_46 = tpu.memref_slice %arg6[%mul3A_42, %dma_start3A] : memref<64x768xf32, #tpu.memory_space<vmem>> -> memref<16x768xf32, #tpu.memory_space<vmem>>
      %dma_start3A_47 = arith.constant 0 : i32
      %dma_start3A_48 = tpu.memref_slice %arg4[%add3A_45, %dma_start3A_47] : memref<2048x768xf32, #tpu.memory_space<hbm>> -> memref<16x768xf32, #tpu.memory_space<hbm>>
      %dma_start3A_49 = arith.constant 0 : i32
      %dma_start3A_50 = tpu.memref_slice %arg4[%add3A_45, %dma_start3A_49] : memref<2048x768xf32, #tpu.memory_space<hbm>> -> memref<16x768xf32, #tpu.memory_space<hbm>>
      %dma_start3A_51 = arith.constant 0 : i32
      %dma_start3A_52 = tpu.memref_slice %arg6[%mul3A_42, %dma_start3A_51] : memref<64x768xf32, #tpu.memory_space<vmem>> -> memref<16x768xf32, #tpu.memory_space<vmem>>
      tpu.enqueue_dma source(%dma_start3A_52 : memref<16x768xf32, #tpu.memory_space<vmem>>) target(%dma_start3A_50 : memref<16x768xf32, #tpu.memory_space<hbm>>) target_semaphore(%arg8 : memref<!tpu.dma_semaphore, #tpu.memory_space<semaphore_mem>>)
    }
    %scan3A_11 = arith.constant 4 : i32
    %dma_wait3A = arith.constant 0 : i32
    %dma_wait3A_12 = tpu.memref_slice %arg4[%mul3A_2, %dma_wait3A] : memref<2048x768xf32, #tpu.memory_space<hbm>> -> memref<64x768xf32, #tpu.memory_space<hbm>>
    %dma_wait3A_13 = arith.constant 0 : i32
    %dma_wait3A_14 = tpu.memref_slice %arg4[%mul3A_2, %dma_wait3A_13] : memref<2048x768xf32, #tpu.memory_space<hbm>> -> memref<64x768xf32, #tpu.memory_space<hbm>>
    tpu.wait_dma2 semaphore(%arg8 : memref<!tpu.dma_semaphore, #tpu.memory_space<semaphore_mem>>) src(%arg6 : memref<64x768xf32, #tpu.memory_space<vmem>>) dst(%dma_wait3A_14 : memref<64x768xf32, #tpu.memory_space<hbm>>)
    return
  }
}

</mosaic_0001>

<sc_bundles>
// kernel: kernel.3.cloned.1.call-start
scs
__scs_entry_jumppad:
0x0: {  	(pc) =	sbr.rel $0x88, $3  }
0x1: {  	(tag) =	ssettag $0x0;
	lr =	simm.s32 $0x1  }
0x2: {  	[smem:$0x3F9F] =	sst lr;
	_ =	strace $0xD0000000  }
0x3: {  	_ = 	snop  }
0x4: {  	_ = 	snop  }
0x5: {  	_ = 	snop  }
0x6: {  	_ = 	snop  }
0x7: {  	_ = 	snop  }
__scs_overlays_trampoline_lowered:
0x8: {  	[smem:$0x3FAE] =	sst s0  }
0x9: {  	[smem:$0x3FAF] =	sst s1  }
0xa: {  	[smem:$0x3FB0] =	sst s2  }
0xb: {  	[smem:$0x3FB1] =	sst s3  }
0xc: {  	[smem:$0x3FB2] =	sst s4  }
0xd: {  	[smem:$0x3FB3] =	sst s5  }
0xe: {  	[smem:$0x3FB4] =	sst s6  }
0xf: {  	[smem:$0x3FB5] =	sst s7  }
0x10: {  	[smem:$0x3FB6] =	sst s8  }
0x11: {  	[smem:$0x3FB7] =	sst s9;
	s0 =	simm.s32 @!p0 $0x0  }
0x12: {  	s1 =	sld [smem:$0x3F9D];
	s0 =	simm.s32 @p0 $0x1  }
0x13: {  	[smem:$0x3FB8] =	sst s0;
	s0 =	simm.s32 @!p1 $0x0  }
0x14: {  	s2 =	sld [smem:$0x3F9C];
	s0 =	simm.s32 @p1 $0x1  }
0x15: {  	[smem:$0x3FB9] =	sst s0;
	s0 =	simm.s32 @!p2 $0x0  }
0x16: {  	s3 =	sld [smem:$0x3FDB];
	s0 =	simm.s32 @p2 $0x1  }
0x17: {  	s4 =	simm.s32 $0x1BF5;
	[smem:$0x3FBB] =	sst s0  }
0x18: {  	s0 =	sld [smem:$0x3F9E];
	_ =	swait.ge [sflag:s4], $0x0  }
0x19: {  	s7 =	sld [smem:$0x3F9F]  }
0x1a: {  	s8 =	sadd.s32 $0xFFFFE003, lr  }
0x1b: {  	s9 =	sadd.s32 $0xFFFFFEF7, lr;
	s5 =	simm.s32 $0xFFFFFFFF;
	p2 =	slt.u32 s8, $0xFFFFF086  }
0x1c: {  	p1 =	slt.u32 s9, $0xF7A;
	s5 =	simm.s32 @!p2 $0x0  }
0x1d: {  	s5 =	simm.s32 @p1 $0x1;
	p0 =	seq.s32 s7, s2  }
0x1e: {  	s7 =	smul.u32 @!p0 $0xF7A, s2;
	p2 =	seq.s32 @!p0 s5, $0x0  }
0x1f: {  	s9 =	smul.u32 $0xF7A, s1;
	s8 =	simm.s32 @!p0 $0x1BF5;
	p2 =	por !p2, p0  }
0x20: {  	[sflag:s8] =	ssyncset.s32 @!p0 $0xFFFFF086;
	s6 =	sadd.s32 @!p0 s3, s7;
	s7 =	simm.s32 @!p0 $0x108  }
0x21: {  	s3 =	sadd.s32 s3, s9;
	s6 =	sadd.s32 @!p0 $0x88, s6;
	s7 =	simm.s32 @p2 $0x1082  }
0x22: {  	[simem:s7], [sflag:s8] =	dma.local @!p0 [hbm:s6], $0xF7A  }
0x23: {  	s9 =	sor.u32 $0xD0000000, s2;
	s6 =	simm.s32 $0x108;
	_ =	swait.ge @!p0 [sflag:s8], $0x0  }
0x24: {  	s3 =	sadd.s32 $0x88, s3;
	s6 =	simm.s32 @!p1 $0x1082;
	[sflag:s4] =	ssyncset.s32 $0xFFFFF086  }
0x25: {  	[simem:s6], [sflag:s4] =	dma.local [hbm:s3], $0xF7A  }
0x26: {  	[smem:$0x3F9F] =	sst s1;
	(tag) =	ssettag s2;
	_ =	strace s9  }
0x27: {  	s1 =	sld [smem:$0x3FAF]  }
0x28: {  	s2 =	sld [smem:$0x3FB0]  }
0x29: {  	s4 =	sld [smem:$0x3FB2]  }
0x2a: {  	p0 =	seq.s32 s5, $0x0;
	s5 =	sld [smem:$0x3FB3]  }
0x2b: {  	s6 =	sld [smem:$0x3FB4]  }
0x2c: {  	s7 =	sld [smem:$0x3FB5]  }
0x2d: {  	s3 =	simm.s32 $0x108;
	s8 =	sld [smem:$0x3FB6]  }
0x2e: {  	s3 =	simm.s32 @!p0 $0x1082;
	s9 =	sld [smem:$0x3FB7]  }
0x2f: {  	lr =	sadd.s32 s0, s3;
	s0 =	sld [smem:$0x3FAE]  }
0x30: {  	s3 =	sld [smem:$0x3FB1]  }
0x31: {  	[smem:$0x3FBA] =	sst s10  }
0x32: {  	s10 =	sld [smem:$0x3FB8];
	_ =	sdelay $0x3  }
0x33: {  	p0 =	seq.s32 s10, $0x1;
	s10 =	sld [smem:$0x3FBA];
	_ =	sdelay $0x3  }
0x34: {  	[smem:$0x3FBA] =	sst s10  }
0x35: {  	s10 =	sld [smem:$0x3FB9];
	_ =	sdelay $0x3  }
0x36: {  	p1 =	seq.s32 s10, $0x1;
	s10 =	sld [smem:$0x3FBA];
	_ =	sdelay $0x3  }
0x37: {  	[smem:$0x3FBA] =	sst s10  }
0x38: {  	s10 =	sld [smem:$0x3FBB]  }
0x39: {  	_ = 	snop;
	(pc) =	sbr.ind lr, $3  }
0x3a: {  	_ = 	snop  }
0x3b: {  	_ = 	snop  }
0x3c: {  	p2 =	seq.s32 s10, $0x1;
	s10 =	sld [smem:$0x3FBA]  }
0x3d: {  	_ =	shalt  }
0x3e: {  	_ =	shalt  }
0x3f: {  	_ =	shalt  }
0x40: {  	_ =	shalt  }
0x41: {  	_ =	shalt  }
0x42: {  	_ =	shalt  }
0x43: {  	_ =	shalt  }
0x44: {  	_ =	shalt  }
0x45: {  	_ =	shalt  }
0x46: {  	_ =	shalt  }
0x47: {  	_ =	shalt  }
0x48: {  	_ =	shalt  }
0x49: {  	_ =	shalt  }
0x4a: {  	_ =	shalt  }
0x4b: {  	_ =	shalt  }
0x4c: {  	_ =	shalt  }
0x4d: {  	_ =	shalt  }
0x4e: {  	_ =	shalt  }
0x4f: {  	_ =	shalt  }
0x50: {  	_ =	shalt  }
0x51: {  	_ =	shalt  }
0x52: {  	_ =	shalt  }
0x53: {  	_ =	shalt  }
0x54: {  	_ =	shalt  }
0x55: {  	_ =	shalt  }
0x56: {  	_ =	shalt  }
0x57: {  	_ =	shalt  }
0x58: {  	_ =	shalt  }
0x59: {  	_ =	shalt  }
0x5a: {  	_ =	shalt  }
0x5b: {  	_ =	shalt  }
0x5c: {  	_ =	shalt  }
0x5d: {  	_ =	shalt  }
0x5e: {  	_ =	shalt  }
0x5f: {  	_ =	shalt  }
0x60: {  	_ =	shalt  }
0x61: {  	_ =	shalt  }
0x62: {  	_ =	shalt  }
0x63: {  	_ =	shalt  }
0x64: {  	_ =	shalt  }
0x65: {  	_ =	shalt  }
0x66: {  	_ =	shalt  }
0x67: {  	_ =	shalt  }
0x68: {  	_ =	shalt  }
0x69: {  	_ =	shalt  }
0x6a: {  	_ =	shalt  }
0x6b: {  	_ =	shalt  }
0x6c: {  	_ =	shalt  }
0x6d: {  	_ =	shalt  }
0x6e: {  	_ =	shalt  }
0x6f: {  	_ =	shalt  }
0x70: {  	_ =	shalt  }
0x71: {  	_ =	shalt  }
0x72: {  	_ =	shalt  }
0x73: {  	_ =	shalt  }
0x74: {  	_ =	shalt  }
0x75: {  	_ =	shalt  }
0x76: {  	_ =	shalt  }
0x77: {  	_ =	shalt  }
0x78: {  	_ =	shalt  }
0x79: {  	_ =	shalt  }
0x7a: {  	_ =	shalt  }
0x7b: {  	_ =	shalt  }
0x7c: {  	_ =	shalt  }
0x7d: {  	_ =	shalt  }
0x7e: {  	_ =	shalt  }
0x7f: {  	_ =	shalt  }
0x80: {  	_ =	shalt  }
0x81: {  	_ =	shalt  }
0x82: {  	_ =	shalt  }
0x83: {  	_ =	shalt  }
0x84: {  	_ =	shalt  }
0x85: {  	_ =	shalt  }
0x86: {  	_ =	shalt  }
0x87: {  	_ =	shalt  }
.Lfunc_end0:
.L_simem_size_0:
called_computation_lowered:
.L_overlay_start_0:
0x88: {  	s2 =	sld [smem:$0x3FD9]  }
0x89: {  	s3 =	sld [smem:$0x3FFE];
	_ =	sdelay $0x1  }
0x8a: {  	s1 =	srdreg.scid  }
0x8b: {  	s0 =	sand.u32 $0x1, s1  }
0x8c: {  	s17 =	sshll.u32 s0, $0xA;
	s2 =	sadd.s32 s3, s2  }
0x8d: {  	s2 =	sadd.s32 s2, s17  }
0x8e: {  	[smem:$0x3FC6] =	sst s2  }
0x8f: {  	_ = 	snop  }
0x90: {  	s2 =	sld [smem:$0x3FC9]  }
0x91: {  	s18 =	sld [smem:$0x3FC8];
	(tm) =	ssettm $0x1  }
0x92: {  	s4 =	sld [smem:$0x3FFB];
	_ =	sdelay $0x3  }
0x93: {  	_ =	strace s4  }
0x94: {  	s4 =	sld [smem:$0x3FFC];
	_ =	sdelay $0x3  }
0x95: {  	_ =	strace s4  }
0x96: {  	s4 =	sld [smem:$0x3FFD];
	_ =	sdelay $0x3  }
0x97: {  	_ =	strace s4  }
0x98: {  	_ =	strace $0x8FFFFFFF  }
0x99: {  	s19 =	sld [smem:$0x3FDB];
	_ =	sdelay $0x1  }
0x9a: {  	s5 =	simm.s32 $_scs_section_size  }
0x9b: {  	s6 =	simm.s32 $_size__tile_overlayer_lowered;
	s7 =	simm.s32 $_tile_overlayer_lowered  }
0x9c: {  	s22 =	simm.s32 $0x1BFF;
	s21 =	sshll.u32 s7, $0x1;
	s4 =	sadd.s32 s5, s19  }
0x9d: {  	s8 =	simm.s32 $0x0;
	s20 =	sshll.u32 s6, $0x1;
	s6 =	sadd.s32 s21, s4  }
0x9e: {  	[timem:s8], [sflag:s22] =	dma.local [hbm:s6], s20  }
0x9f: {  	_ =	swait.ge [sflag:s22], s20  }
0xa0: {  	s5 =	ssub.s32 $0x0, s20;
	[sflag:s22] =	ssyncset.done $0x0  }
0xa1: {  	[sflag:s22] =	ssyncadd.s32 s5;
	_ =	sdelay $0x1  }
0xa2: {  	s23 =	simm.s32 $0x1B8B  }
0xa3: {  	_ =	swait.ge [sflag:s23], $0x1  }
0xa4: {  	[sflag:s23] =	ssyncset.done $0x0  }
0xa5: {  	s25 =	simm.s32 $0x1B8E;
	s24 =	sld [smem:$0x3FFE];
	[sflag:s23] =	ssyncadd.s32 $0xFFFFFFFF  }
0xa6: {  	s26 =	simm.s32 $execute0_lowered;
	[smem:$0x3FD2] =	sst s25  }
0xa7: {  	s6 =	sshll.u32 s26, $0x1;
	_ =	strace $0x80000046;
	[dreg:$0x1] =	wrdreg $0xFFFFFFFF  }
0xa8: {  	s28 =	simm.s32 $_size_execute0_lowered;
	s4 =	sadd.s32 s4, s6;
	[dreg:$0x0] =	wrdreg $0x0  }
0xa9: {  	s6 =	sshll.u32 s28, $0x1;
	[dreg:$0x2] =	wrdreg s4  }
0xaa: {  	[dreg:$0x3] =	wrdreg s6  }
0xab: {  	[dreg:$0x4] =	wrdreg $0xC0  }
0xac: {  	_ =	task [dreg:s8], $0x5FFFF  }
0xad: {  	[dreg:$0x1] =	wrdreg $0xFFFFFFFF  }
0xae: {  	[dreg:$0x0] =	wrdreg $0x60  }
0xaf: {  	[dreg:$0x2] =	wrdreg s18  }
0xb0: {  	[dreg:$0x3] =	wrdreg s2  }
0xb1: {  	[dreg:$0x4] =	wrdreg s24  }
0xb2: {  	[dreg:$0x5] =	wrdreg $0x9  }
0xb3: {  	_ =	task.clear_ibuf [dreg:s8], $0x6FFFF;
	_ =	strace $0x90000046  }
0xb4: {  	s29 =	simm.s32 $0x9;
	_ =	strace $0x80000048  }
0xb5: {  	_ =	swait.ge [sflag:s29], $0x1  }
0xb6: {  	[sflag:s29] =	ssyncadd.s32 $0xFFFFFFFF  }
0xb7: {  	_ =	strace $0x90000048  }
0xb8: {  	_ =	sfence  }
0xb9: {  	s30 =	sld [smem:$0x0];
	_ =	sdelay $0x2  }
0xba: {  	s31 =	sshll.u32 s1, $0xD;
	s1 =	sshrl.u32 s1, $0x2  }
0xbb: {  	s3 =	sand.u32 $0x4000, s31;
	s1 =	sadd.s32 s1, s30  }
0xbc: {  	s0 =	sor.u32 s3, s0;
	s1 =	sshll.u32 s1, $0x11  }
0xbd: {  	s0 =	sor.u32 s1, s0  }
0xbe: {  	s0 =	sadd.s32 $0x8F2B, s0  }
0xbf: {  	[sflag:s0] =	ssyncadd.remote.s32 $0x1  }
0xc0: {  	_ =	sfence.sel $0xFFFF  }
0xc1: {  	[dreg:$0x0] =	wrdreg $0xFFFFFFFF;
	(pc) =	sbr.abs _section_cstart, $3  }
0xc2: {  	[dreg:$0x1] =	wrdreg $0xFFFFFFFF  }
0xc3: {  	_ =	task.clear_ibuf [dreg:s8], $0x2FFFF;
	_ =	strace $0x9FFFFFFF  }
0xc4: {  	(tm) =	ssettm $0x7FFFFFFF  }
0xc5: {  	_ =	shalt  }
tec
execute0_lowered:
.L_overlay_start_1:
0x0: {  	(tag) =	ssettag $0x1  }
0x1: {  	s1 =	rddreg [dreg:$0x0]  }
0x2: {  	s0 =	rddreg [dreg:$0x1]  }
0x3: {  	s2 =	rddreg [dreg:$0x2];
	s3 =	srdreg.scid  }
0x4: {  	s5 =	stileid.u32;
	s10 =	simm.s32 $0x6;
	s28 =	simm.s32 $0x8080  }
0x5: {  	s29 =	simm.s32 $0x8880;
	s30 =	simm.s32 $0x9080;
	s31 =	simm.s32 $0x9880  }
0x6: {  	s11 =	simm.s32 $0xB080;
	s12 =	simm.s32 $0xB880;
	s13 =	simm.s32 $0x5  }
0x7: {  	s14 =	simm.s32 $0x0;
	s4 =	sand.u32 $0x1, s3;
	s3 =	simm.s32 $0x0  }
0x8: {  	s5 =	sshll.u32 s5, $0x7;
	s6 =	sshll.u32 s4, $0x6;
	[smem:$0x7FF] =	sst s3  }
0x9: {  	s7 =	ssub.s32 $0x2, s4;
	s4 =	sor.u32 s6, s5;
	_ =	strace $0x80000047  }
0xa: {  	s25 =	sshrl.u32 s7, $0x1;
	s5 =	sadd.s32 $0x400, s2;
	s2 =	simm.s32 $0xA880  }
0xb: {  	v2 =	vlaneseq.u32;
	s8 =	sshrl.u32 s4, $0x3;
	s26 =	ssub.s32 s7, s25;
	s7 =	sadd.s32 $0x100, s1  }
0xc: {  	vm0 =	vmmov $0xffff;
	v1 =	vshrl.u32 v2, $0x3;
	s25 =	simm.s32 $0x7080;
	s6 =	sadd.s32 s0, s8;
	s8 =	sadd.s32 $0x200, s1  }
0xd: {  	v0 =	vand.u32 $0x7, v2;
	v2 =	vor.u32 $0x8, v2;
	v1 =	vmul.u32 $0x8, v1;
	s9 =	smax.u32 s26, $0x1;
	s26 =	simm.s32 $0x7880;
	s0 =	simm.s32 $0xA080  }
.LBB2_1:
0xe: {  	[tilespmem:s3], [sflag:$0x6] =	stream.linear.gather [hbm4b:s6+s3], $0x40, $0x38;
	[tilespmem:$0xC080] =	vst v63  }
0xf: {  	_ =	swait.ge [sflag:s10], $0x40  }
0x10: {  	[sflag:s10] =	ssyncset.done $0x0  }
0x11: {  	[sflag:s10] =	ssyncadd.s32 $0xFFFFFFC0  }
0x12: {  	v3 =	vld [tilespmem:$0x0];
	_ =	sdelay $0x4  }
0x13: {  	v4 =	vshrl.u32 v3, $0x3  }
0x14: {  	v4 =	vmul.u32 $0x30, v4  }
0x15: {  	v3 =	vand.u32 $0x7, v3  }
0x16: {  	v3 =	vor.u32 v3, v4  }
0x17: {  	v4 =	vperm.xlane v3, v0;
	_ =	sdelay $0x1  }
0x18: {  	v4 =	vadd.s32 v1, v4;
	_ =	sdelay $0x3  }
0x19: {  	s15 =	simm.s32 $0x80;
	v3 =	vperm.xlane v3, v2  }
0x1a: {  	[tilespmem:s15], [sflag:$0x1] =	stream.indirect_vreg.gather [hbm4b:s1+s3], $0x80, v4, vm0, $0xb8;
	[tilespmem:$0xC080] =	vst v63  }
0x1b: {  	s21 =	simm.s32 $0x880;
	v3 =	vadd.s32 v1, v3  }
0x1c: {  	[tilespmem:s21], [sflag:$0x1] =	stream.indirect_vreg.gather [hbm4b:s7+s3], $0x80, v4, vm0, $0xb8;
	[tilespmem:$0xC080] =	vst v63  }
0x1d: {  	s22 =	simm.s32 $0x1080  }
0x1e: {  	[tilespmem:s22], [sflag:$0x1] =	stream.indirect_vreg.gather [hbm4b:s8+s3], $0x80, v4, vm0, $0xb8;
	[tilespmem:$0xC080] =	vst v63  }
0x1f: {  	s23 =	simm.s32 $0x1880  }
0x20: {  	[tilespmem:s23], [sflag:$0x1] =	stream.indirect_vreg.gather [hbm4b:s1+s3], $0x80, v3, vm0, $0xb8;
	[tilespmem:$0xC080] =	vst v63  }
0x21: {  	s24 =	simm.s32 $0x2080  }
0x22: {  	[tilespmem:s24], [sflag:$0x1] =	stream.indirect_vreg.gather [hbm4b:s7+s3], $0x80, v3, vm0, $0xb8;
	[tilespmem:$0xC080] =	vst v63  }
0x23: {  	s16 =	simm.s32 $0x2880  }
0x24: {  	[tilespmem:s16], [sflag:$0x1] =	stream.indirect_vreg.gather [hbm4b:s8+s3], $0x80, v3, vm0, $0xb8;
	[tilespmem:$0xC080] =	vst v63  }
0x25: {  	v3 =	vld [tilespmem:$0x10];
	_ =	sdelay $0x4  }
0x26: {  	v61 =	vshrl.u32 v3, $0x3  }
0x27: {  	v4 =	vmul.u32 $0x30, v61  }
0x28: {  	v3 =	vand.u32 $0x7, v3  }
0x29: {  	v3 =	vor.u32 v3, v4  }
0x2a: {  	v4 =	vperm.xlane v3, v0;
	_ =	sdelay $0x1  }
0x2b: {  	v4 =	vadd.s32 v1, v4;
	_ =	sdelay $0x3  }
0x2c: {  	s17 =	simm.s32 $0x3080;
	v3 =	vperm.xlane v3, v2  }
0x2d: {  	[tilespmem:s17], [sflag:$0x2] =	stream.indirect_vreg.gather [hbm4b:s1+s3], $0x80, v4, vm0, $0xb8;
	[tilespmem:$0xC080] =	vst v63  }
0x2e: {  	s18 =	simm.s32 $0x3880;
	v3 =	vadd.s32 v1, v3  }
0x2f: {  	[tilespmem:s18], [sflag:$0x2] =	stream.indirect_vreg.gather [hbm4b:s7+s3], $0x80, v4, vm0, $0xb8;
	[tilespmem:$0xC080] =	vst v63  }
0x30: {  	s19 =	simm.s32 $0x4080  }
0x31: {  	[tilespmem:s19], [sflag:$0x2] =	stream.indirect_vreg.gather [hbm4b:s8+s3], $0x80, v4, vm0, $0xb8;
	[tilespmem:$0xC080] =	vst v63  }
0x32: {  	s20 =	simm.s32 $0x4880  }
0x33: {  	[tilespmem:s20], [sflag:$0x2] =	stream.indirect_vreg.gather [hbm4b:s1+s3], $0x80, v3, vm0, $0xb8;
	[tilespmem:$0xC080] =	vst v63  }
0x34: {  	s21 =	simm.s32 $0x5080  }
0x35: {  	[tilespmem:s21], [sflag:$0x2] =	stream.indirect_vreg.gather [hbm4b:s7+s3], $0x80, v3, vm0, $0xb8;
	[tilespmem:$0xC080] =	vst v63  }
0x36: {  	s22 =	simm.s32 $0x5880  }
0x37: {  	[tilespmem:s22], [sflag:$0x2] =	stream.indirect_vreg.gather [hbm4b:s8+s3], $0x80, v3, vm0, $0xb8;
	[tilespmem:$0xC080] =	vst v63  }
0x38: {  	v3 =	vld [tilespmem:$0x20];
	_ =	sdelay $0x4  }
0x39: {  	v62 =	vshrl.u32 v3, $0x3  }
0x3a: {  	v4 =	vmul.u32 $0x30, v62  }
0x3b: {  	v3 =	vand.u32 $0x7, v3  }
0x3c: {  	v3 =	vor.u32 v3, v4  }
0x3d: {  	v4 =	vperm.xlane v3, v0;
	_ =	sdelay $0x1  }
0x3e: {  	v4 =	vadd.s32 v1, v4;
	_ =	sdelay $0x3  }
0x3f: {  	s23 =	simm.s32 $0x6080;
	v3 =	vperm.xlane v3, v2  }
0x40: {  	[tilespmem:s23], [sflag:$0x3] =	stream.indirect_vreg.gather [hbm4b:s1+s3], $0x80, v4, vm0, $0xb8;
	[tilespmem:$0xC080] =	vst v63  }
0x41: {  	s24 =	simm.s32 $0x6880;
	v3 =	vadd.s32 v1, v3  }
0x42: {  	[tilespmem:s24], [sflag:$0x3] =	stream.indirect_vreg.gather [hbm4b:s7+s3], $0x80, v4, vm0, $0xb8;
	[tilespmem:$0xC080] =	vst v63  }
0x43: {  	_ = 	snop  }
0x44: {  	[tilespmem:s25], [sflag:$0x3] =	stream.indirect_vreg.gather [hbm4b:s8+s3], $0x80, v4, vm0, $0xb8;
	[tilespmem:$0xC080] =	vst v63  }
0x45: {  	_ = 	snop  }
0x46: {  	[tilespmem:s26], [sflag:$0x3] =	stream.indirect_vreg.gather [hbm4b:s1+s3], $0x80, v3, vm0, $0xb8;
	[tilespmem:$0xC080] =	vst v63  }
0x47: {  	_ = 	snop  }
0x48: {  	[tilespmem:s28], [sflag:$0x3] =	stream.indirect_vreg.gather [hbm4b:s7+s3], $0x80, v3, vm0, $0xb8;
	[tilespmem:$0xC080] =	vst v63  }
0x49: {  	_ = 	snop  }
0x4a: {  	[tilespmem:s29], [sflag:$0x3] =	stream.indirect_vreg.gather [hbm4b:s8+s3], $0x80, v3, vm0, $0xb8;
	[tilespmem:$0xC080] =	vst v63  }
0x4b: {  	v3 =	vld [tilespmem:$0x30];
	_ =	sdelay $0x4  }
0x4c: {  	v63 =	vshrl.u32 v3, $0x3  }
0x4d: {  	v4 =	vmul.u32 $0x30, v63  }
0x4e: {  	v3 =	vand.u32 $0x7, v3  }
0x4f: {  	v3 =	vor.u32 v3, v4  }
0x50: {  	v4 =	vperm.xlane v3, v0;
	_ =	sdelay $0x1  }
0x51: {  	v4 =	vadd.s32 v1, v4;
	_ =	sdelay $0x3  }
0x52: {  	v3 =	vperm.xlane v3, v2  }
0x53: {  	[tilespmem:s30], [sflag:$0x4] =	stream.indirect_vreg.gather [hbm4b:s1+s3], $0x80, v4, vm0, $0xb8;
	[tilespmem:$0xC080] =	vst v63  }
0x54: {  	v3 =	vadd.s32 v1, v3  }
0x55: {  	[tilespmem:s31], [sflag:$0x4] =	stream.indirect_vreg.gather [hbm4b:s7+s3], $0x80, v4, vm0, $0xb8;
	[tilespmem:$0xC080] =	vst v63  }
0x56: {  	_ = 	snop  }
0x57: {  	[tilespmem:s0], [sflag:$0x4] =	stream.indirect_vreg.gather [hbm4b:s8+s3], $0x80, v4, vm0, $0xb8;
	[tilespmem:$0xC080] =	vst v63  }
0x58: {  	_ = 	snop  }
0x59: {  	[tilespmem:s2], [sflag:$0x4] =	stream.indirect_vreg.gather [hbm4b:s1+s3], $0x80, v3, vm0, $0xb8;
	[tilespmem:$0xC080] =	vst v63  }
0x5a: {  	_ = 	snop  }
0x5b: {  	[tilespmem:s11], [sflag:$0x4] =	stream.indirect_vreg.gather [hbm4b:s7+s3], $0x80, v3, vm0, $0xb8;
	[tilespmem:$0xC080] =	vst v63  }
0x5c: {  	s15 =	simm.s32 $0x0;
	s17 =	simm.s32 $0x0;
	s22 =	simm.s32 $0x0  }
0x5d: {  	[tilespmem:s12], [sflag:$0x4] =	stream.indirect_vreg.gather [hbm4b:s8+s3], $0x80, v3, vm0, $0xb8;
	[tilespmem:$0xC080] =	vst v63  }
.LBB2_2:
0x5e: {  	s16 =	sadd.s32 $0x0, s15  }
0x5f: {  	s16 =	sshrl.u32 s16, $0x3  }
0x60: {  	s18 =	sadd.s32 $0x1, s17;
	s16 =	smul.u32 $0x6000, s16  }
0x61: {  	_ =	swait.ge [sflag:s18], $0x3000  }
0x62: {  	s19 =	sand.u32 $0x380, s22;
	[sflag:s18] =	ssyncset.done $0x0;
	s16 =	sshra.s32 s16, $0x2  }
0x63: {  	[sflag:s18] =	ssyncadd.s32 $0xFFFFD000;
	s19 =	sor.u32 s19, s16  }
0x64: {  	v3 =	vld [tilespmem:s19+$0x80]  }
0x65: {  	v4 =	vld [tilespmem:s19+$0x90]  }
0x66: {  	v5 =	vld [tilespmem:s19+$0xA0]  }
0x67: {  	v6 =	vld [tilespmem:s19+$0xB0]  }
0x68: {  	v7 =	vld [tilespmem:s19+$0xC0]  }
0x69: {  	v8 =	vld [tilespmem:s19+$0xD0];
	v3 =	vmul.f32 $8.000000000e+00, v3  }
0x6a: {  	v9 =	vld [tilespmem:s19+$0xE0];
	v4 =	vmul.f32 $8.000000000e+00, v4  }
0x6b: {  	[tilespmem:s19+$0x80] =	vst v3;
	v3 =	vmul.f32 $8.000000000e+00, v5;
	v5 =	vld [tilespmem:s19+$0xF0]  }
0x6c: {  	[tilespmem:s19+$0x90] =	vst v4;
	v4 =	vmul.f32 $8.000000000e+00, v6;
	v6 =	vld [tilespmem:s19+$0x480]  }
0x6d: {  	[tilespmem:s19+$0xA0] =	vst v3;
	v3 =	vmul.f32 $8.000000000e+00, v7;
	v7 =	vld [tilespmem:s19+$0x490]  }
0x6e: {  	[tilespmem:s19+$0xB0] =	vst v4;
	v4 =	vmul.f32 $8.000000000e+00, v8;
	v8 =	vld [tilespmem:s19+$0x4A0]  }
0x6f: {  	[tilespmem:s19+$0xC0] =	vst v3;
	v3 =	vmul.f32 $8.000000000e+00, v9  }
0x70: {  	[tilespmem:s19+$0xD0] =	vst v4;
	v4 =	vmul.f32 $8.000000000e+00, v5;
	v5 =	vld [tilespmem:s19+$0x4B0]  }
0x71: {  	[tilespmem:s19+$0xE0] =	vst v3;
	v3 =	vmul.f32 $8.000000000e+00, v6;
	v6 =	vld [tilespmem:s19+$0x4C0]  }
0x72: {  	v9 =	vld [tilespmem:s19+$0x4F0]  }
0x73: {  	[tilespmem:s19+$0xF0] =	vst v4;
	v4 =	vmul.f32 $8.000000000e+00, v7;
	v7 =	vmul.f32 $8.000000000e+00, v8;
	v8 =	vld [tilespmem:s19+$0x4E0]  }
0x74: {  	[tilespmem:s19+$0x480] =	vst v3;
	v3 =	vld [tilespmem:s19+$0x4D0]  }
0x75: {  	[tilespmem:s19+$0x4A0] =	vst v7;
	v7 =	vld [tilespmem:s19+$0x890];
	v5 =	vmul.f32 $8.000000000e+00, v5  }
0x76: {  	[tilespmem:s19+$0x490] =	vst v4;
	v4 =	vld [tilespmem:s19+$0x880];
	v6 =	vmul.f32 $8.000000000e+00, v6  }
0x77: {  	[tilespmem:s19+$0x4B0] =	vst v5;
	v5 =	vld [tilespmem:s19+$0x8A0]  }
0x78: {  	v8 =	vmul.f32 $8.000000000e+00, v8;
	[tilespmem:s19+$0x4C0] =	vst v6;
	v6 =	vld [tilespmem:s19+$0x8B0]  }
0x79: {  	v3 =	vmul.f32 $8.000000000e+00, v3  }
0x7a: {  	[tilespmem:s19+$0x4E0] =	vst v8;
	v8 =	vld [tilespmem:s19+$0x8D0];
	v7 =	vmul.f32 $8.000000000e+00, v7  }
0x7b: {  	v4 =	vmul.f32 $8.000000000e+00, v4;
	[tilespmem:s19+$0x4D0] =	vst v3;
	v3 =	vld [tilespmem:s19+$0x8C0]  }
0x7c: {  	v9 =	vmul.f32 $8.000000000e+00, v9;
	[tilespmem:s19+$0x890] =	vst v7;
	v7 =	vld [tilespmem:s19+$0x8E0]  }
0x7d: {  	[tilespmem:s19+$0x880] =	vst v4;
	v4 =	vmul.f32 $8.000000000e+00, v5;
	v5 =	vld [tilespmem:s19+$0xC80];
	v6 =	vmul.f32 $8.000000000e+00, v6  }
0x7e: {  	[tilespmem:s19+$0x4F0] =	vst v9  }
0x7f: {  	v8 =	vmul.f32 $8.000000000e+00, v8;
	[tilespmem:s19+$0x8B0] =	vst v6;
	v6 =	vld [tilespmem:s19+$0xCA0]  }
0x80: {  	[tilespmem:s19+$0x8A0] =	vst v4;
	v4 =	vld [tilespmem:s19+$0xC90];
	v3 =	vmul.f32 $8.000000000e+00, v3  }
0x81: {  	v9 =	vld [tilespmem:s19+$0x8F0];
	v7 =	vmul.f32 $8.000000000e+00, v7;
	[tilespmem:s19+$0x8D0] =	vst v8  }
0x82: {  	v8 =	vld [tilespmem:s19+$0xCC0];
	[tilespmem:s19+$0x8C0] =	vst v3;
	v5 =	vmul.f32 $8.000000000e+00, v5  }
0x83: {  	v3 =	vld [tilespmem:s19+$0xCB0];
	[tilespmem:s19+$0x8E0] =	vst v7  }
0x84: {  	v7 =	vld [tilespmem:s19+$0xCD0];
	[tilespmem:s19+$0xC80] =	vst v5;
	v5 =	vmul.f32 $8.000000000e+00, v6  }
0x85: {  	v4 =	vmul.f32 $8.000000000e+00, v4;
	v6 =	vld [tilespmem:s19+$0xCE0]  }
0x86: {  	v9 =	vmul.f32 $8.000000000e+00, v9;
	[tilespmem:s19+$0xCA0] =	vst v5;
	v5 =	vld [tilespmem:s19+$0xCF0]  }
0x87: {  	[tilespmem:s19+$0xC90] =	vst v4;
	v4 =	vld [tilespmem:s19+$0x1080];
	v8 =	vmul.f32 $8.000000000e+00, v8  }
0x88: {  	[tilespmem:s19+$0x8F0] =	vst v9;
	v9 =	vld [tilespmem:s19+$0x1090];
	v3 =	vmul.f32 $8.000000000e+00, v3  }
0x89: {  	v7 =	vmul.f32 $8.000000000e+00, v7;
	[tilespmem:s19+$0xCC0] =	vst v8  }
0x8a: {  	[tilespmem:s19+$0xCB0] =	vst v3;
	v3 =	vld [tilespmem:s19+$0x10A0];
	v6 =	vmul.f32 $8.000000000e+00, v6  }
0x8b: {  	v8 =	vld [tilespmem:s19+$0x10B0];
	[tilespmem:s19+$0xCD0] =	vst v7;
	v7 =	vmul.f32 $8.000000000e+00, v5  }
0x8c: {  	v10 =	vld [tilespmem:s19+$0x10C0];
	v4 =	vmul.f32 $8.000000000e+00, v4;
	[tilespmem:s19+$0xCE0] =	vst v6  }
0x8d: {  	v5 =	vld [tilespmem:s19+$0x10D0];
	[tilespmem:s19+$0xCF0] =	vst v7;
	v7 =	vmul.f32 $8.000000000e+00, v9  }
0x8e: {  	v6 =	vld [tilespmem:s19+$0x10E0];
	[tilespmem:s19+$0x1080] =	vst v4  }
0x8f: {  	v4 =	vmul.f32 $8.000000000e+00, v3;
	[tilespmem:s19+$0x1090] =	vst v7;
	v7 =	vld [tilespmem:s19+$0x10F0]  }
0x90: {  	v3 =	vld [tilespmem:s19+$0x1480];
	v9 =	vmul.f32 $8.000000000e+00, v8  }
0x91: {  	s20 =	sshll.u32 s17, $0x4;
	s21 =	simm.s32 $0x1;
	s16 =	smov.u32 s22;
	v8 =	vmul.f32 $8.000000000e+00, v10;
	[tilespmem:s19+$0x10A0] =	vst v4;
	v4 =	vld [tilespmem:s19+$0x1490]  }
.LBB2_3:
0x92: {  	s23 =	sadd.s32 s21, s15;
	p0 =	sne.s32 s21, $0xF;
	[tilespmem:s19+$0x10B0] =	vst v9;
	v5 =	vmul.f32 $8.000000000e+00, v5;
	v9 =	vld [tilespmem:s19+$0x14A0]  }
0x93: {  	s23 =	sshrl.u32 s23, $0x3;
	[tilespmem:s19+$0x10C0] =	vst v8;
	v6 =	vmul.f32 $8.000000000e+00, v6;
	v8 =	vld [tilespmem:s19+$0x14B0]  }
0x94: {  	s23 =	smul.u32 $0x6000, s23;
	[tilespmem:s19+$0x10D0] =	vst v5;
	v5 =	vmul.f32 $8.000000000e+00, v7;
	v7 =	vld [tilespmem:s19+$0x14C0]  }
0x95: {  	s16 =	sadd.s32 $0x80, s16;
	[tilespmem:s19+$0x10E0] =	vst v6;
	v3 =	vmul.f32 $8.000000000e+00, v3;
	v6 =	vld [tilespmem:s19+$0x14D0]  }
0x96: {  	s24 =	sand.u32 $0x380, s16;
	s23 =	sshra.s32 s23, $0x2;
	[tilespmem:s19+$0x10F0] =	vst v5;
	v4 =	vmul.f32 $8.000000000e+00, v4;
	v5 =	vld [tilespmem:s19+$0x14E0]  }
0x97: {  	s23 =	sor.u32 s24, s23;
	[tilespmem:s19+$0x1480] =	vst v3;
	v3 =	vmul.f32 $8.000000000e+00, v9;
	v9 =	vld [tilespmem:s19+$0x14F0]  }
0x98: {  	v10 =	vld [tilespmem:s23+$0x80];
	[tilespmem:s19+$0x1490] =	vst v4;
	v4 =	vmul.f32 $8.000000000e+00, v8  }
0x99: {  	v8 =	vld [tilespmem:s23+$0x90];
	[tilespmem:s19+$0x14A0] =	vst v3;
	v3 =	vmul.f32 $8.000000000e+00, v7  }
0x9a: {  	v7 =	vld [tilespmem:s23+$0xA0];
	[tilespmem:s19+$0x14B0] =	vst v4;
	v4 =	vmul.f32 $8.000000000e+00, v6  }
0x9b: {  	v6 =	vld [tilespmem:s23+$0xB0];
	[tilespmem:s19+$0x14C0] =	vst v3;
	v3 =	vmul.f32 $8.000000000e+00, v5  }
0x9c: {  	v5 =	vld [tilespmem:s23+$0xC0];
	[tilespmem:s19+$0x14D0] =	vst v4;
	v4 =	vmul.f32 $8.000000000e+00, v9  }
0x9d: {  	v9 =	vmul.f32 $8.000000000e+00, v10;
	v10 =	vld [tilespmem:s23+$0xD0];
	[tilespmem:s19+$0x14E0] =	vst v3  }
0x9e: {  	v3 =	vmul.f32 $8.000000000e+00, v8;
	v8 =	vld [tilespmem:s23+$0xE0];
	[tilespmem:s19+$0x14F0] =	vst v4;
	s19 =	smov.u32 s23  }
0x9f: {  	[tilespmem:s19+$0x80] =	vst v9;
	v4 =	vmul.f32 $8.000000000e+00, v7;
	v7 =	vld [tilespmem:s19+$0xF0]  }
0xa0: {  	[tilespmem:s19+$0x90] =	vst v3;
	v3 =	vmul.f32 $8.000000000e+00, v6;
	v6 =	vld [tilespmem:s19+$0x480]  }
0xa1: {  	[tilespmem:s19+$0xA0] =	vst v4;
	v4 =	vmul.f32 $8.000000000e+00, v5;
	v5 =	vld [tilespmem:s19+$0x490]  }
0xa2: {  	[tilespmem:s19+$0xB0] =	vst v3;
	v3 =	vmul.f32 $8.000000000e+00, v10;
	v9 =	vld [tilespmem:s19+$0x4A0]  }
0xa3: {  	[tilespmem:s19+$0xC0] =	vst v4;
	v4 =	vmul.f32 $8.000000000e+00, v8;
	v8 =	vld [tilespmem:s19+$0x4B0]  }
0xa4: {  	[tilespmem:s19+$0xD0] =	vst v3;
	v3 =	vmul.f32 $8.000000000e+00, v7;
	v7 =	vld [tilespmem:s19+$0x4C0]  }
0xa5: {  	[tilespmem:s19+$0xE0] =	vst v4;
	v4 =	vmul.f32 $8.000000000e+00, v6;
	v6 =	vld [tilespmem:s19+$0x4D0]  }
0xa6: {  	[tilespmem:s19+$0xF0] =	vst v3;
	v3 =	vmul.f32 $8.000000000e+00, v5;
	v5 =	vld [tilespmem:s19+$0x4E0]  }
0xa7: {  	[tilespmem:s19+$0x480] =	vst v4;
	v4 =	vmul.f32 $8.000000000e+00, v9;
	v9 =	vld [tilespmem:s19+$0x4F0]  }
0xa8: {  	[tilespmem:s19+$0x490] =	vst v3;
	v3 =	vmul.f32 $8.000000000e+00, v8;
	v8 =	vld [tilespmem:s19+$0x880]  }
0xa9: {  	[tilespmem:s19+$0x4A0] =	vst v4;
	v4 =	vmul.f32 $8.000000000e+00, v7;
	v7 =	vld [tilespmem:s19+$0x890]  }
0xaa: {  	[tilespmem:s19+$0x4B0] =	vst v3;
	v3 =	vmul.f32 $8.000000000e+00, v6;
	v6 =	vld [tilespmem:s19+$0x8A0]  }
0xab: {  	[tilespmem:s19+$0x4C0] =	vst v4;
	v4 =	vmul.f32 $8.000000000e+00, v5;
	v5 =	vld [tilespmem:s19+$0x8B0]  }
0xac: {  	[tilespmem:s19+$0x4D0] =	vst v3;
	v3 =	vmul.f32 $8.000000000e+00, v9;
	v9 =	vld [tilespmem:s19+$0x8C0]  }
0xad: {  	[tilespmem:s19+$0x4E0] =	vst v4;
	v4 =	vmul.f32 $8.000000000e+00, v8;
	v8 =	vld [tilespmem:s19+$0x8D0]  }
0xae: {  	[tilespmem:s19+$0x4F0] =	vst v3;
	v3 =	vmul.f32 $8.000000000e+00, v7;
	v7 =	vld [tilespmem:s19+$0x8E0]  }
0xaf: {  	[tilespmem:s19+$0x880] =	vst v4;
	v4 =	vmul.f32 $8.000000000e+00, v6;
	v6 =	vld [tilespmem:s19+$0x8F0]  }
0xb0: {  	[tilespmem:s19+$0x890] =	vst v3;
	v3 =	vmul.f32 $8.000000000e+00, v5;
	v5 =	vld [tilespmem:s19+$0xC80]  }
0xb1: {  	[tilespmem:s19+$0x8A0] =	vst v4;
	v4 =	vmul.f32 $8.000000000e+00, v9;
	v9 =	vld [tilespmem:s19+$0xC90]  }
0xb2: {  	[tilespmem:s19+$0x8B0] =	vst v3;
	v3 =	vmul.f32 $8.000000000e+00, v8;
	v8 =	vld [tilespmem:s19+$0xCA0]  }
0xb3: {  	[tilespmem:s19+$0x8C0] =	vst v4;
	v4 =	vmul.f32 $8.000000000e+00, v7;
	v7 =	vld [tilespmem:s19+$0xCB0]  }
0xb4: {  	[tilespmem:s19+$0x8D0] =	vst v3;
	v3 =	vmul.f32 $8.000000000e+00, v6;
	v6 =	vld [tilespmem:s19+$0xCC0]  }
0xb5: {  	[tilespmem:s19+$0x8E0] =	vst v4;
	v4 =	vmul.f32 $8.000000000e+00, v5;
	v5 =	vld [tilespmem:s19+$0xCD0]  }
0xb6: {  	[tilespmem:s19+$0x8F0] =	vst v3;
	v3 =	vmul.f32 $8.000000000e+00, v9;
	v9 =	vld [tilespmem:s19+$0xCE0]  }
0xb7: {  	[tilespmem:s19+$0xC80] =	vst v4;
	v4 =	vmul.f32 $8.000000000e+00, v8;
	v8 =	vld [tilespmem:s19+$0xCF0]  }
0xb8: {  	[tilespmem:s19+$0xC90] =	vst v3;
	v3 =	vmul.f32 $8.000000000e+00, v7;
	v7 =	vld [tilespmem:s19+$0x1080]  }
0xb9: {  	[tilespmem:s19+$0xCA0] =	vst v4;
	v4 =	vmul.f32 $8.000000000e+00, v6;
	v6 =	vld [tilespmem:s19+$0x1090]  }
0xba: {  	[tilespmem:s19+$0xCB0] =	vst v3;
	v3 =	vmul.f32 $8.000000000e+00, v5;
	v10 =	vld [tilespmem:s19+$0x10A0]  }
0xbb: {  	[tilespmem:s19+$0xCC0] =	vst v4;
	v4 =	vmul.f32 $8.000000000e+00, v9;
	v9 =	vld [tilespmem:s19+$0x10B0]  }
0xbc: {  	[tilespmem:s19+$0xCD0] =	vst v3;
	v3 =	vmul.f32 $8.000000000e+00, v8;
	v8 =	vld [tilespmem:s19+$0x10C0]  }
.Ltmp0:
0xbd: {  	[tilespmem:s19+$0xCE0] =	vst v4;
	v4 =	vmul.f32 $8.000000000e+00, v7;
	v5 =	vld [tilespmem:s19+$0x10D0];
	(pc) =	sbr.rel @p0 .LBB2_3-.Ltmp0, $4  }
0xbe: {  	[tilespmem:s19+$0xCF0] =	vst v3;
	v3 =	vmul.f32 $8.000000000e+00, v6;
	v6 =	vld [tilespmem:s19+$0x10E0]  }
0xbf: {  	[tilespmem:s19+$0x1080] =	vst v4;
	v4 =	vmul.f32 $8.000000000e+00, v10;
	v7 =	vld [tilespmem:s19+$0x10F0]  }
0xc0: {  	[tilespmem:s19+$0x1090] =	vst v3;
	v9 =	vmul.f32 $8.000000000e+00, v9;
	v3 =	vld [tilespmem:s19+$0x1480]  }
0xc1: {  	s21 =	sadd.s32 $0x1, s21;
	[tilespmem:s19+$0x10A0] =	vst v4;
	v8 =	vmul.f32 $8.000000000e+00, v8;
	v4 =	vld [tilespmem:s19+$0x1490]  }
0xc2: {  	[tilespmem:s19+$0x10B0] =	vst v9;
	v55 =	vld [tilespmem:s19+$0x14A0];
	v5 =	vmul.f32 $8.000000000e+00, v5  }
0xc3: {  	v56 =	vld [tilespmem:s19+$0x14B0];
	[tilespmem:s19+$0x10C0] =	vst v8;
	v6 =	vmul.f32 $8.000000000e+00, v6  }
0xc4: {  	v58 =	vld [tilespmem:s19+$0x14D0];
	[tilespmem:s19+$0x10D0] =	vst v5;
	v7 =	vmul.f32 $8.000000000e+00, v7  }
0xc5: {  	v57 =	vld [tilespmem:s19+$0x14C0];
	[tilespmem:s19+$0x10E0] =	vst v6;
	v3 =	vmul.f32 $8.000000000e+00, v3  }
0xc6: {  	v60 =	vld [tilespmem:s19+$0x14F0];
	[tilespmem:s19+$0x10F0] =	vst v7;
	v4 =	vmul.f32 $8.000000000e+00, v4  }
0xc7: {  	v59 =	vld [tilespmem:s19+$0x14E0];
	[tilespmem:s19+$0x1480] =	vst v3;
	v3 =	vmul.f32 $8.000000000e+00, v55  }
0xc8: {  	v61 =	vmul.f32 $8.000000000e+00, v56;
	[tilespmem:s19+$0x1490] =	vst v4  }
0xc9: {  	s16 =	sor.u32 s4, s20;
	v62 =	vmul.f32 $8.000000000e+00, v58;
	[tilespmem:s19+$0x14A0] =	vst v3  }
0xca: {  	s17 =	smul.u32 $0xC000, s17;
	s16 =	sshrl.u32 s16, $0x3;
	v3 =	vmul.f32 $8.000000000e+00, v57;
	[tilespmem:s19+$0x14B0] =	vst v61  }
0xcb: {  	p0 =	sne.s32 s18, $0x4;
	s16 =	smul.u32 $0x300, s16;
	v63 =	vmul.f32 $8.000000000e+00, v60;
	[tilespmem:s19+$0x14D0] =	vst v62  }
.Ltmp1:
0xcc: {  	[tilespmem:s19+$0x14C0] =	vst v3;
	v3 =	vmul.f32 $8.000000000e+00, v59;
	(pc) =	sbr.rel @p0 .LBB2_2-.Ltmp1, $4  }
0xcd: {  	s17 =	sshra.s32 s17, $0x2;
	[tilespmem:s19+$0x14F0] =	vst v63  }
0xce: {  	s17 =	sor.u32 $0x80, s17;
	s16 =	sadd.s32 s5, s16;
	[tilespmem:s19+$0x14E0] =	vst v3  }
0xcf: {  	[hbm4b:s16+s3] =	stream.linear.scatter [tilespmem:s17], [sflag:$0x5], $0x3000, $0x38;
	[tilespmem:$0xC080] =	vst v63  }
0xd0: {  	s22 =	sadd.s32 $0x800, s22;
	s15 =	sadd.s32 $0x10, s15;
	s17 =	smov.u32 s18  }
0xd1: {  	s14 =	sadd.s32 $0x1, s14  }
0xd2: {  	p0 =	sne.s32 s14, s9  }
.Ltmp2:
0xd3: {  	_ = 	snop;
	(pc) =	sbr.rel @p0 .LBB2_1-.Ltmp2, $4  }
0xd4: {  	_ = 	snop  }
0xd5: {  	_ =	swait.ge [sflag:s13], $0xC000  }
0xd6: {  	[sflag:s13] =	ssyncset.done $0x0  }
0xd7: {  	[sflag:s13] =	ssyncadd.s32 $0xFFFF4000  }
0xd8: {  	_ =	sfence.sel $0x180000  }
0xd9: {  	[bflag:$0x0] =	sbarrier.arrive $0xFFFF  }
0xda: {  	_ =	strace $0x90000047  }
0xdb: {  	s0 =	stileid.u32;
	[bflag:$0x2] =	sbarrier.arrive $0xFFFF  }
0xdc: {  	p0 =	sne.s32 s0, $0x0;
	s0 =	rddreg [dreg:$0x3]  }
0xdd: {  	s0 =	sadd.s32 @!p0 $0x100000, s0  }
0xde: {  	[sflag:s0] =	ssyncadd.tile.s32 @!p0 $0x1;
	_ =	shalt  }
.Lfunc_end2:
_tile_overlayer_lowered:
.L_overlay_start_2:
0xdf: {  	(tag) =	ssettag $0x2  }
0xe0: {  	s0 =	rddreg [dreg:$0x0];
	s2 =	stileid.u32  }
0xe1: {  	s1 =	rddreg [dreg:$0x1];
	p0 =	sne.s32 s2, $0x0  }
0xe2: {  	s3 =	rddreg [dreg:$0x2];
	[bflag:$0x3] =	sbarrier.arrive $0xFFFF;
	s2 =	simm.s32 @!p0 $0x1C06  }
0xe3: {  	[timem:s3], [sflag:s2] =	dma.local @!p0 [hbm:s0], s1  }
0xe4: {  	s0 =	simm.s32 @!p0 $0x6  }
0xe5: {  	_ =	swait.ge @!p0 [sflag:s0], s1  }
0xe6: {  	s1 =	ssub.s32 @!p0 $0x0, s1;
	[sflag:s0] =	ssyncset.done @!p0 $0x0  }
0xe7: {  	[sflag:s0] =	ssyncadd.s32 @!p0 s1  }
0xe8: {  	[bflag:$0x3] =	sbarrier.arrive $0xFFFF  }
0xe9: {  	_ =	shalt  }

</sc_bundles>
